<compile_context>
chip_gen: v7x
topology: tpu7x:2x2x1
jax: 0.10.2.dev20260603
libtpu: 0.0.44.dev20260713+nightly
codegen_flags: <defaults>
</compile_context>

<pallas_src>
import jax
from jax import lax
import jax.numpy as jnp
from jax.experimental import pallas as pl
from jax.experimental.pallas import tpu as pltpu
from jax.experimental.pallas import tpu_sc as plsc

LANES = 16
CH = 16
NBUF = 2


def _sc_gather_add(xs, times_flat, pe):
    L, B, dim = xs.shape
    n_workers = 32
    lw = (L * B) // n_workers
    nc = lw // CH
    wpb = n_workers // B

    mesh = plsc.VectorSubcoreMesh(core_axis_name="core", subcore_axis_name="subcore")

    scratch = (
        [pltpu.VMEM((lw,), jnp.int32)]
        + [pltpu.VMEM((CH, dim), jnp.float32) for _ in range(3 * NBUF)]
        + [pltpu.SemaphoreType.DMA for _ in range(3 * NBUF)]
    )

    @pl.kernel(
        out_type=jax.ShapeDtypeStruct((L, B, dim), jnp.float32),
        mesh=mesh,
        scratch_types=scratch,
    )
    def k(xs_hbm, t_hbm, pe_hbm, o_hbm, idx_v,
          xb0, xb1, pb0, pb1, ob0, ob1,
          sx0, sx1, sp0, sp1, so0, so1):
        xb = (xb0, xb1)
        pb = (pb0, pb1)
        ob = (ob0, ob1)
        sx = (sx0, sx1)
        sp = (sp0, sp1)
        so = (so0, so1)

        wid = lax.axis_index("core") * 16 + lax.axis_index("subcore")
        b = wid // wpb
        l_base = (wid % wpb) * lw

        pltpu.sync_copy(t_hbm.at[pl.ds(b * L + l_base, lw)], idx_v)

        def issue_loads(c, j):
            l0 = l_base + c * CH
            pltpu.async_copy(xs_hbm.at[pl.ds(l0, CH), b, :], xb[j], sx[j])
            pltpu.async_copy(pe_hbm.at[idx_v.at[pl.ds(c * CH, CH)]], pb[j], sp[j])

        def wait_loads(c, j):
            l0 = l_base + c * CH
            pltpu.make_async_copy(xs_hbm.at[pl.ds(l0, CH), b, :], xb[j], sx[j]).wait()
            pltpu.make_async_copy(
                pe_hbm.at[idx_v.at[pl.ds(c * CH, CH)]], pb[j], sp[j]).wait()

        def wait_store(c, j):
            l0 = l_base + c * CH
            pltpu.make_async_copy(ob[j], o_hbm.at[pl.ds(l0, CH), b, :], so[j]).wait()

        for j in range(NBUF):
            issue_loads(j, j)

        @pl.loop(0, nc, step=NBUF)
        def _(cbase):
            for j in range(NBUF):
                c = cbase + j
                wait_loads(c, j)

                @pl.when(c >= NBUF)
                def _():
                    wait_store(c - NBUF, j)

                @pl.loop(0, CH)
                def _(r):
                    @pl.loop(0, dim, step=16 * LANES)
                    def _(cg):
                        for u in range(16):
                            cc = cg + u * LANES
                            ob[j][r, pl.ds(cc, LANES)] = (
                                xb[j][r, pl.ds(cc, LANES)] + pb[j][r, pl.ds(cc, LANES)]
                            )

                @pl.when(c + NBUF < nc)
                def _():
                    issue_loads(c + NBUF, j)

                l0 = l_base + c * CH
                pltpu.async_copy(ob[j], o_hbm.at[pl.ds(l0, CH), b, :], so[j])

        for j in range(NBUF):
            wait_store(nc - NBUF + j, j)

    return k(xs, times_flat, pe)


def kernel(xs, times, pe):
    L, B, dim = xs.shape
    times_flat = times.astype(jnp.int32).reshape(B * L)
    return _sc_gather_add(xs, times_flat, pe)

# --- scband reference (transcript-rebuilt; emitter-appended) ---
"""Pipeline reference for scband-continuous-pos-encoding-86517821211568 (READ-ONLY COPY).

The authoritative reference and input builder live on the scoring server;
editing this copy changes nothing except your own understanding.
"""

import jax, jax.numpy as jnp
import numpy as np
import math

L, B, DIM = 2048, 4, 1024
MAXTIME = 360

def _make_pe(maxtime, dim):
    position = jnp.arange(0, maxtime, dtype=jnp.float32)[:, None]
    div_term = jnp.exp(jnp.arange(0, dim, 2, dtype=jnp.float32) * (-math.log(10000.0) / dim))
    pe = jnp.zeros((maxtime, dim), dtype=jnp.float32)
    pe = pe.at[:, 0::2].set(jnp.sin(position * div_term))
    pe = pe.at[:, 1::2].set(jnp.cos(position * div_term))
    return pe

def setup_inputs(seed: int = 0) -> dict:
    key = jax.random.key(seed)
    k1, k2 = jax.random.split(key)
    xs = jax.random.normal(k1, (L, B, DIM), dtype=jnp.float32)
    times = jax.random.randint(k2, (B, L), 0, MAXTIME)
    pe = _make_pe(MAXTIME, DIM)
    return {"xs": xs, "times": times, "pe": pe}

def reference(xs, times, pe):
    # torch: for b in range(B): ys[:, b] += pe[times[b]]
    # times: [B, L] -> gather pe rows -> [B, L, dim] -> transpose to [L, B, dim]
    times = times.astype(jnp.int32)
    gathered = jnp.take(pe, times, axis=0)  # [B, L, dim]
    ys = xs + jnp.transpose(gathered, (1, 0, 2))
    # dropout is identity in eval mode
    return ys

if __name__ == "__main__":
    import jax
    _d = setup_inputs()
    print(jax.jit(kernel)(*tuple(_d.values())))

</pallas_src>

<mosaic_0001>
#map = affine_map<(d0, d1) -> (0, 0, 0)>
#map1 = affine_map<(d0, d1) -> (0)>
#map2 = affine_map<(d0, d1) -> (0, 0)>
module attributes {stable_mosaic.version = 14 : i64} {
  func.func @k(%arg0: i32, %arg1: i32, %arg2: memref<2048x4x1024xf32, #tpu.memory_space<hbm>>, %arg3: memref<8192xi32, #tpu.memory_space<hbm>>, %arg4: memref<360x1024xf32, #tpu.memory_space<hbm>>, %arg5: memref<2048x4x1024xf32, #tpu.memory_space<hbm>>, %arg6: memref<256xi32, #tpu.memory_space<vmem>>, %arg7: memref<16x1024xf32, #tpu.memory_space<vmem>>, %arg8: memref<16x1024xf32, #tpu.memory_space<vmem>>, %arg9: memref<16x1024xf32, #tpu.memory_space<vmem>>, %arg10: memref<16x1024xf32, #tpu.memory_space<vmem>>, %arg11: memref<16x1024xf32, #tpu.memory_space<vmem>>, %arg12: memref<16x1024xf32, #tpu.memory_space<vmem>>, %arg13: memref<!tpu.dma_semaphore, #tpu.memory_space<semaphore_mem>>, %arg14: memref<!tpu.dma_semaphore, #tpu.memory_space<semaphore_mem>>, %arg15: memref<!tpu.dma_semaphore, #tpu.memory_space<semaphore_mem>>, %arg16: memref<!tpu.dma_semaphore, #tpu.memory_space<semaphore_mem>>, %arg17: memref<!tpu.dma_semaphore, #tpu.memory_space<semaphore_mem>>, %arg18: memref<!tpu.dma_semaphore, #tpu.memory_space<semaphore_mem>>) attributes {dimension_semantics = [#tpu.dimension_semantics<core_parallel>, #tpu.dimension_semantics<subcore_parallel>], iteration_bounds = array<i64: 2, 16>, scalar_prefetch = 0 : i64, scratch_operands = 13 : i64, tpu.core_type = #tpu.core_type<sc_vector_subcore>, window_params = [{transform_indices = #map}, {transform_indices = #map1}, {transform_indices = #map2}, {transform_indices = #map}]} {
    %mul3A = arith.constant 16 : i32
    %mul3A_0 = arith.muli %arg0, %mul3A : i32
    %add3A = arith.addi %mul3A_0, %arg1 : i32
    %jit3A = arith.constant 8 : i32
    %div3A = arith.divsi %add3A, %jit3A : i32
    %sign3A = arith.constant 0 : i32
    %sign3A_1 = arith.cmpi sgt, %add3A, %sign3A : i32
    %sign3A_2 = arith.extui %sign3A_1 : i1 to i32
    %sign3A_3 = arith.constant 0 : i32
    %sign3A_4 = arith.cmpi slt, %add3A, %sign3A_3 : i32
    %sign3A_5 = arith.extui %sign3A_4 : i1 to i32
    %sign3A_6 = arith.subi %sign3A_2, %sign3A_5 : i32
    %sign3A_7 = arith.constant 0 : i32
    %sign3A_8 = arith.cmpi sgt, %jit3A, %sign3A_7 : i32
    %sign3A_9 = arith.extui %sign3A_8 : i1 to i32
    %sign3A_10 = arith.constant 0 : i32
    %sign3A_11 = arith.cmpi slt, %jit3A, %sign3A_10 : i32
    %sign3A_12 = arith.extui %sign3A_11 : i1 to i32
    %sign3A_13 = arith.subi %sign3A_9, %sign3A_12 : i32
    %ne3A = arith.cmpi ne, %sign3A_6, %sign3A_13 : i32
    %rem3A = arith.remsi %add3A, %jit3A : i32
    %ne3A_14 = arith.constant 0 : i32
    %ne3A_15 = arith.cmpi ne, %rem3A, %ne3A_14 : i32
    %and3A = arith.andi %ne3A, %ne3A_15 : i1
    %sub3A = arith.constant 1 : i32
    %sub3A_16 = arith.subi %div3A, %sub3A : i32
    %select_n3A = arith.select %and3A, %sub3A_16, %div3A : i32
    %jit3A_17 = arith.constant 8 : i32
    %eq3A = arith.constant 0 : i32
    %eq3A_18 = arith.cmpi eq, %jit3A_17, %eq3A : i32
    %jit3A_19 = arith.constant 1 : i32
    %select_n3A_20 = arith.select %eq3A_18, %jit3A_19, %jit3A_17 : i32
    %rem3A_21 = arith.remsi %add3A, %select_n3A_20 : i32
    %ne3A_22 = arith.constant 0 : i32
    %ne3A_23 = arith.cmpi ne, %rem3A_21, %ne3A_22 : i32
    %lt3A = arith.constant 0 : i32
    %lt3A_24 = arith.cmpi slt, %rem3A_21, %lt3A : i32
    %lt3A_25 = arith.constant 0 : i32
    %lt3A_26 = arith.cmpi slt, %select_n3A_20, %lt3A_25 : i32
    %ne3A_27 = arith.xori %lt3A_24, %lt3A_26 : i1
    %and3A_28 = arith.andi %ne3A_27, %ne3A_23 : i1
    %add3A_29 = arith.addi %rem3A_21, %select_n3A_20 : i32
    %select_n3A_30 = arith.select %and3A_28, %add3A_29, %rem3A_21 : i32
    %mul3A_31 = arith.constant 256 : i32
    %mul3A_32 = arith.muli %select_n3A_30, %mul3A_31 : i32
    %mul3A_33 = arith.constant 2048 : i32
    %mul3A_34 = arith.muli %select_n3A, %mul3A_33 : i32
    %add3A_35 = arith.addi %mul3A_34, %mul3A_32 : i32
    "tpu.region"() ({
      %run_scoped3A = tpu.sem_alloc : memref<!tpu.dma_semaphore, #tpu.memory_space<semaphore_mem>>
      %dma_start3A_80 = tpu.memref_slice %arg3[%add3A_35] : memref<8192xi32, #tpu.memory_space<hbm>> -> memref<256xi32, #tpu.memory_space<hbm>>
      %dma_start3A_81 = tpu.memref_slice %arg3[%add3A_35] : memref<8192xi32, #tpu.memory_space<hbm>> -> memref<256xi32, #tpu.memory_space<hbm>>
      tpu.enqueue_dma source(%dma_start3A_81 : memref<256xi32, #tpu.memory_space<hbm>>) target(%arg6 : memref<256xi32, #tpu.memory_space<vmem>>) target_semaphore(%run_scoped3A : memref<!tpu.dma_semaphore, #tpu.memory_space<semaphore_mem>>)
      %dma_wait3A_82 = tpu.memref_slice %arg3[%add3A_35] : memref<8192xi32, #tpu.memory_space<hbm>> -> memref<256xi32, #tpu.memory_space<hbm>>
      %dma_wait3A_83 = tpu.memref_slice %arg3[%add3A_35] : memref<8192xi32, #tpu.memory_space<hbm>> -> memref<256xi32, #tpu.memory_space<hbm>>
      tpu.wait_dma2 semaphore(%run_scoped3A : memref<!tpu.dma_semaphore, #tpu.memory_space<semaphore_mem>>) src(%dma_wait3A_83 : memref<256xi32, #tpu.memory_space<hbm>>) dst(%arg6 : memref<256xi32, #tpu.memory_space<vmem>>)
      tpu.yield
    }) : () -> ()
    %add3A_36 = arith.constant 0 : i32
    %add3A_37 = arith.addi %mul3A_32, %add3A_36 : i32
    %dma_start3A = arith.constant 0 : i32
    %dma_start3A_38 = tpu.memref_slice %arg2[%add3A_37, %select_n3A, %dma_start3A] : memref<2048x4x1024xf32, #tpu.memory_space<hbm>> -> memref<16x1x1024xf32, #tpu.memory_space<hbm>>
    %dma_start3A_39 = tpu.memref_squeeze %dma_start3A_38 : memref<16x1x1024xf32, #tpu.memory_space<hbm>> -> memref<16x1024xf32, #tpu.memory_space<hbm>>
    %dma_start3A_40 = arith.constant 0 : i32
    %dma_start3A_41 = tpu.memref_slice %arg2[%add3A_37, %select_n3A, %dma_start3A_40] : memref<2048x4x1024xf32, #tpu.memory_space<hbm>> -> memref<16x1x1024xf32, #tpu.memory_space<hbm>>
    %dma_start3A_42 = tpu.memref_squeeze %dma_start3A_41 : memref<16x1x1024xf32, #tpu.memory_space<hbm>> -> memref<16x1024xf32, #tpu.memory_space<hbm>>
    tpu.enqueue_dma source(%dma_start3A_42 : memref<16x1024xf32, #tpu.memory_space<hbm>>) target(%arg7 : memref<16x1024xf32, #tpu.memory_space<vmem>>) target_semaphore(%arg13 : memref<!tpu.dma_semaphore, #tpu.memory_space<semaphore_mem>>)
    %dma_start3A_43 = arith.constant 0 : i32
    %dma_start3A_44 = tpu.memref_slice %arg6[%dma_start3A_43] : memref<256xi32, #tpu.memory_space<vmem>> -> memref<16xi32, #tpu.memory_space<vmem>>
    %dma_start3A_45 = arith.constant 0 : i32
    %dma_start3A_46 = arith.constant 0 : i32
    %dma_start3A_47 = tpu.memref_slice %arg4[%dma_start3A_45, %dma_start3A_46] : memref<360x1024xf32, #tpu.memory_space<hbm>> -> memref<360x1024xf32, #tpu.memory_space<hbm>>
    tpu.enqueue_indirect_dma source(%dma_start3A_47 : memref<360x1024xf32, #tpu.memory_space<hbm>>) target(%arg9 : memref<16x1024xf32, #tpu.memory_space<vmem>>) offsets(%dma_start3A_44 : memref<16xi32, #tpu.memory_space<vmem>>) semaphore(%arg15 : memref<!tpu.dma_semaphore, #tpu.memory_space<semaphore_mem>>)
    %add3A_48 = arith.constant 16 : i32
    %add3A_49 = arith.addi %mul3A_32, %add3A_48 : i32
    %dma_start3A_50 = arith.constant 0 : i32
    %dma_start3A_51 = tpu.memref_slice %arg2[%add3A_49, %select_n3A, %dma_start3A_50] : memref<2048x4x1024xf32, #tpu.memory_space<hbm>> -> memref<16x1x1024xf32, #tpu.memory_space<hbm>>
    %dma_start3A_52 = tpu.memref_squeeze %dma_start3A_51 : memref<16x1x1024xf32, #tpu.memory_space<hbm>> -> memref<16x1024xf32, #tpu.memory_space<hbm>>
    %dma_start3A_53 = arith.constant 0 : i32
    %dma_start3A_54 = tpu.memref_slice %arg2[%add3A_49, %select_n3A, %dma_start3A_53] : memref<2048x4x1024xf32, #tpu.memory_space<hbm>> -> memref<16x1x1024xf32, #tpu.memory_space<hbm>>
    %dma_start3A_55 = tpu.memref_squeeze %dma_start3A_54 : memref<16x1x1024xf32, #tpu.memory_space<hbm>> -> memref<16x1024xf32, #tpu.memory_space<hbm>>
    tpu.enqueue_dma source(%dma_start3A_55 : memref<16x1024xf32, #tpu.memory_space<hbm>>) target(%arg8 : memref<16x1024xf32, #tpu.memory_space<vmem>>) target_semaphore(%arg14 : memref<!tpu.dma_semaphore, #tpu.memory_space<semaphore_mem>>)
    %dma_start3A_56 = arith.constant 16 : i32
    %dma_start3A_57 = tpu.memref_slice %arg6[%dma_start3A_56] : memref<256xi32, #tpu.memory_space<vmem>> -> memref<16xi32, #tpu.memory_space<vmem>>
    %dma_start3A_58 = arith.constant 0 : i32
    %dma_start3A_59 = arith.constant 0 : i32
    %dma_start3A_60 = tpu.memref_slice %arg4[%dma_start3A_58, %dma_start3A_59] : memref<360x1024xf32, #tpu.memory_space<hbm>> -> memref<360x1024xf32, #tpu.memory_space<hbm>>
    tpu.enqueue_indirect_dma source(%dma_start3A_60 : memref<360x1024xf32, #tpu.memory_space<hbm>>) target(%arg10 : memref<16x1024xf32, #tpu.memory_space<vmem>>) offsets(%dma_start3A_57 : memref<16xi32, #tpu.memory_space<vmem>>) semaphore(%arg16 : memref<!tpu.dma_semaphore, #tpu.memory_space<semaphore_mem>>)
    %scan3A = arith.constant 0 : i32
    %scan3A_61 = arith.constant 8 : i32
    %scan3A_62 = arith.addi %scan3A, %scan3A_61 : i32
    %scan3A_63 = arith.constant 1 : i32
    scf.for %scan3A_80 = %scan3A to %scan3A_62 step %scan3A_63  : i32 {
      %mul3A_81 = arith.constant 2 : i32
      %mul3A_82 = arith.muli %scan3A_80, %mul3A_81 : i32
      %add3A_83 = arith.constant 0 : i32
      %add3A_84 = arith.addi %add3A_83, %mul3A_82 : i32
      %add3A_85 = arith.constant 0 : i32
      %add3A_86 = arith.addi %add3A_84, %add3A_85 : i32
      %mul3A_87 = arith.constant 16 : i32
      %mul3A_88 = arith.muli %add3A_86, %mul3A_87 : i32
      %add3A_89 = arith.addi %mul3A_32, %mul3A_88 : i32
      %dma_wait3A_90 = arith.constant 0 : i32
      %dma_wait3A_91 = tpu.memref_slice %arg2[%add3A_89, %select_n3A, %dma_wait3A_90] : memref<2048x4x1024xf32, #tpu.memory_space<hbm>> -> memref<16x1x1024xf32, #tpu.memory_space<hbm>>
      %dma_wait3A_92 = tpu.memref_squeeze %dma_wait3A_91 : memref<16x1x1024xf32, #tpu.memory_space<hbm>> -> memref<16x1024xf32, #tpu.memory_space<hbm>>
      %dma_wait3A_93 = arith.constant 0 : i32
      %dma_wait3A_94 = tpu.memref_slice %arg2[%add3A_89, %select_n3A, %dma_wait3A_93] : memref<2048x4x1024xf32, #tpu.memory_space<hbm>> -> memref<16x1x1024xf32, #tpu.memory_space<hbm>>
      %dma_wait3A_95 = tpu.memref_squeeze %dma_wait3A_94 : memref<16x1x1024xf32, #tpu.memory_space<hbm>> -> memref<16x1024xf32, #tpu.memory_space<hbm>>
      tpu.wait_dma2 semaphore(%arg13 : memref<!tpu.dma_semaphore, #tpu.memory_space<semaphore_mem>>) src(%dma_wait3A_95 : memref<16x1024xf32, #tpu.memory_space<hbm>>) dst(%arg7 : memref<16x1024xf32, #tpu.memory_space<vmem>>)
      %mul3A_96 = arith.constant 16 : i32
      %mul3A_97 = arith.muli %add3A_86, %mul3A_96 : i32
      %dma_wait3A_98 = tpu.memref_slice %arg6[%mul3A_97] : memref<256xi32, #tpu.memory_space<vmem>> -> memref<16xi32, #tpu.memory_space<vmem>>
      %dma_wait3A_99 = arith.constant 0 : i32
      %dma_wait3A_100 = arith.constant 0 : i32
      %dma_wait3A_101 = tpu.memref_slice %arg4[%dma_wait3A_99, %dma_wait3A_100] : memref<360x1024xf32, #tpu.memory_space<hbm>> -> memref<360x1024xf32, #tpu.memory_space<hbm>>
      tpu.wait_indirect_dma semaphore(%arg15 : memref<!tpu.dma_semaphore, #tpu.memory_space<semaphore_mem>>) src(%dma_wait3A_101 : memref<360x1024xf32, #tpu.memory_space<hbm>>) dst(%arg9 : memref<16x1024xf32, #tpu.memory_space<vmem>>)
      %ge3A = arith.constant 2 : i32
      %ge3A_102 = arith.cmpi sge, %add3A_86, %ge3A : i32
      %convert_element_type3A = arith.extui %ge3A_102 : i1 to i32
      %cond3A = arith.constant 0 : i32
      %cond3A_103 = arith.cmpi ne, %convert_element_type3A, %cond3A : i32
      scf.if %cond3A_103 {
        %sub3A_168 = arith.constant 2 : i32
        %sub3A_169 = arith.subi %add3A_86, %sub3A_168 : i32
        %mul3A_170 = arith.constant 16 : i32
        %mul3A_171 = arith.muli %sub3A_169, %mul3A_170 : i32
        %add3A_172 = arith.addi %mul3A_32, %mul3A_171 : i32
        %dma_wait3A_173 = arith.constant 0 : i32
        %dma_wait3A_174 = tpu.memref_slice %arg5[%add3A_172, %select_n3A, %dma_wait3A_173] : memref<2048x4x1024xf32, #tpu.memory_space<hbm>> -> memref<16x1x1024xf32, #tpu.memory_space<hbm>>
        %dma_wait3A_175 = tpu.memref_squeeze %dma_wait3A_174 : memref<16x1x1024xf32, #tpu.memory_space<hbm>> -> memref<16x1024xf32, #tpu.memory_space<hbm>>
        %dma_wait3A_176 = arith.constant 0 : i32
        %dma_wait3A_177 = tpu.memref_slice %arg5[%add3A_172, %select_n3A, %dma_wait3A_176] : memref<2048x4x1024xf32, #tpu.memory_space<hbm>> -> memref<16x1x1024xf32, #tpu.memory_space<hbm>>
        %dma_wait3A_178 = tpu.memref_squeeze %dma_wait3A_177 : memref<16x1x1024xf32, #tpu.memory_space<hbm>> -> memref<16x1024xf32, #tpu.memory_space<hbm>>
        tpu.wait_dma2 semaphore(%arg17 : memref<!tpu.dma_semaphore, #tpu.memory_space<semaphore_mem>>) src(%arg11 : memref<16x1024xf32, #tpu.memory_space<vmem>>) dst(%dma_wait3A_178 : memref<16x1024xf32, #tpu.memory_space<hbm>>)
      } else {
      }
      %scan3A_104 = arith.constant 0 : i32
      %scan3A_105 = arith.constant 16 : i32
      %scan3A_106 = arith.addi %scan3A_104, %scan3A_105 : i32
      %scan3A_107 = arith.constant 1 : i32
      scf.for %scan3A_168 = %scan3A_104 to %scan3A_106 step %scan3A_107  : i32 {
        %mul3A_169 = arith.constant 1 : i32
        %mul3A_170 = arith.muli %scan3A_168, %mul3A_169 : i32
        %add3A_171 = arith.constant 0 : i32
        %add3A_172 = arith.addi %add3A_171, %mul3A_170 : i32
        %scan3A_173 = arith.constant 0 : i32
        %scan3A_174 = arith.constant 4 : i32
        %scan3A_175 = arith.addi %scan3A_173, %scan3A_174 : i32
        %scan3A_176 = arith.constant 1 : i32
        scf.for %scan3A_178 = %scan3A_173 to %scan3A_175 step %scan3A_176  : i32 {
          %mul3A_179 = arith.constant 256 : i32
          %mul3A_180 = arith.muli %scan3A_178, %mul3A_179 : i32
          %add3A_181 = arith.constant 0 : i32
          %add3A_182 = arith.addi %add3A_181, %mul3A_180 : i32
          %add3A_183 = arith.constant 0 : i32
          %add3A_184 = arith.addi %add3A_182, %add3A_183 : i32
          %get3A = arith.index_cast %add3A_172 : i32 to index
          %get3A_185 = arith.index_cast %add3A_184 : i32 to index
          %get3A_186 = tpu.vector_load %arg7[%get3A, %get3A_185] {strides = array<i32>} : memref<16x1024xf32, #tpu.memory_space<vmem>>, vector<1x16xf32>,
          %get3A_187 = vector.shape_cast %get3A_186 : vector<1x16xf32> to vector<16xf32>
          %get3A_188 = arith.index_cast %add3A_172 : i32 to index
          %get3A_189 = arith.index_cast %add3A_184 : i32 to index
          %get3A_190 = tpu.vector_load %arg9[%get3A_188, %get3A_189] {strides = array<i32>} : memref<16x1024xf32, #tpu.memory_space<vmem>>, vector<1x16xf32>,
          %get3A_191 = vector.shape_cast %get3A_190 : vector<1x16xf32> to vector<16xf32>
          %add3A_192 = arith.addf %get3A_187, %get3A_191 : vector<16xf32>
          %swap3A = arith.index_cast %add3A_172 : i32 to index
          %swap3A_193 = arith.index_cast %add3A_184 : i32 to index
          %swap3A_194 = tpu.vector_load %arg11[%swap3A, %swap3A_193] {strides = array<i32>} : memref<16x1024xf32, #tpu.memory_space<vmem>>, vector<1x16xf32>,
          %swap3A_195 = vector.shape_cast %swap3A_194 : vector<1x16xf32> to vector<16xf32>
          %swap3A_196 = vector.shape_cast %add3A_192 : vector<16xf32> to vector<1x16xf32>
          tpu.vector_store %arg11[%swap3A, %swap3A_193], %swap3A_196 {strides = array<i32>} : memref<16x1024xf32, #tpu.memory_space<vmem>>, vector<1x16xf32>,
          %add3A_197 = arith.constant 16 : i32
          %add3A_198 = arith.addi %add3A_182, %add3A_197 : i32
          %get3A_199 = arith.index_cast %add3A_172 : i32 to index
          %get3A_200 = arith.index_cast %add3A_198 : i32 to index
          %get3A_201 = tpu.vector_load %arg7[%get3A_199, %get3A_200] {strides = array<i32>} : memref<16x1024xf32, #tpu.memory_space<vmem>>, vector<1x16xf32>,
          %get3A_202 = vector.shape_cast %get3A_201 : vector<1x16xf32> to vector<16xf32>
          %get3A_203 = arith.index_cast %add3A_172 : i32 to index
          %get3A_204 = arith.index_cast %add3A_198 : i32 to index
          %get3A_205 = tpu.vector_load %arg9[%get3A_203, %get3A_204] {strides = array<i32>} : memref<16x1024xf32, #tpu.memory_space<vmem>>, vector<1x16xf32>,
          %get3A_206 = vector.shape_cast %get3A_205 : vector<1x16xf32> to vector<16xf32>
          %add3A_207 = arith.addf %get3A_202, %get3A_206 : vector<16xf32>
          %swap3A_208 = arith.index_cast %add3A_172 : i32 to index
          %swap3A_209 = arith.index_cast %add3A_198 : i32 to index
          %swap3A_210 = tpu.vector_load %arg11[%swap3A_208, %swap3A_209] {strides = array<i32>} : memref<16x1024xf32, #tpu.memory_space<vmem>>, vector<1x16xf32>,
          %swap3A_211 = vector.shape_cast %swap3A_210 : vector<1x16xf32> to vector<16xf32>
          %swap3A_212 = vector.shape_cast %add3A_207 : vector<16xf32> to vector<1x16xf32>
          tpu.vector_store %arg11[%swap3A_208, %swap3A_209], %swap3A_212 {strides = array<i32>} : memref<16x1024xf32, #tpu.memory_space<vmem>>, vector<1x16xf32>,
          %add3A_213 = arith.constant 32 : i32
          %add3A_214 = arith.addi %add3A_182, %add3A_213 : i32
          %get3A_215 = arith.index_cast %add3A_172 : i32 to index
          %get3A_216 = arith.index_cast %add3A_214 : i32 to index
          %get3A_217 = tpu.vector_load %arg7[%get3A_215, %get3A_216] {strides = array<i32>} : memref<16x1024xf32, #tpu.memory_space<vmem>>, vector<1x16xf32>,
          %get3A_218 = vector.shape_cast %get3A_217 : vector<1x16xf32> to vector<16xf32>
          %get3A_219 = arith.index_cast %add3A_172 : i32 to index
          %get3A_220 = arith.index_cast %add3A_214 : i32 to index
          %get3A_221 = tpu.vector_load %arg9[%get3A_219, %get3A_220] {strides = array<i32>} : memref<16x1024xf32, #tpu.memory_space<vmem>>, vector<1x16xf32>,
          %get3A_222 = vector.shape_cast %get3A_221 : vector<1x16xf32> to vector<16xf32>
          %add3A_223 = arith.addf %get3A_218, %get3A_222 : vector<16xf32>
          %swap3A_224 = arith.index_cast %add3A_172 : i32 to index
          %swap3A_225 = arith.index_cast %add3A_214 : i32 to index
          %swap3A_226 = tpu.vector_load %arg11[%swap3A_224, %swap3A_225] {strides = array<i32>} : memref<16x1024xf32, #tpu.memory_space<vmem>>, vector<1x16xf32>,
          %swap3A_227 = vector.shape_cast %swap3A_226 : vector<1x16xf32> to vector<16xf32>
          %swap3A_228 = vector.shape_cast %add3A_223 : vector<16xf32> to vector<1x16xf32>
          tpu.vector_store %arg11[%swap3A_224, %swap3A_225], %swap3A_228 {strides = array<i32>} : memref<16x1024xf32, #tpu.memory_space<vmem>>, vector<1x16xf32>,
          %add3A_229 = arith.constant 48 : i32
          %add3A_230 = arith.addi %add3A_182, %add3A_229 : i32
          %get3A_231 = arith.index_cast %add3A_172 : i32 to index
          %get3A_232 = arith.index_cast %add3A_230 : i32 to index
          %get3A_233 = tpu.vector_load %arg7[%get3A_231, %get3A_232] {strides = array<i32>} : memref<16x1024xf32, #tpu.memory_space<vmem>>, vector<1x16xf32>,
          %get3A_234 = vector.shape_cast %get3A_233 : vector<1x16xf32> to vector<16xf32>
          %get3A_235 = arith.index_cast %add3A_172 : i32 to index
          %get3A_236 = arith.index_cast %add3A_230 : i32 to index
          %get3A_237 = tpu.vector_load %arg9[%get3A_235, %get3A_236] {strides = array<i32>} : memref<16x1024xf32, #tpu.memory_space<vmem>>, vector<1x16xf32>,
          %get3A_238 = vector.shape_cast %get3A_237 : vector<1x16xf32> to vector<16xf32>
          %add3A_239 = arith.addf %get3A_234, %get3A_238 : vector<16xf32>
          %swap3A_240 = arith.index_cast %add3A_172 : i32 to index
          %swap3A_241 = arith.index_cast %add3A_230 : i32 to index
          %swap3A_242 = tpu.vector_load %arg11[%swap3A_240, %swap3A_241] {strides = array<i32>} : memref<16x1024xf32, #tpu.memory_space<vmem>>, vector<1x16xf32>,
          %swap3A_243 = vector.shape_cast %swap3A_242 : vector<1x16xf32> to vector<16xf32>
          %swap3A_244 = vector.shape_cast %add3A_239 : vector<16xf32> to vector<1x16xf32>
          tpu.vector_store %arg11[%swap3A_240, %swap3A_241], %swap3A_244 {strides = array<i32>} : memref<16x1024xf32, #tpu.memory_space<vmem>>, vector<1x16xf32>,
          %add3A_245 = arith.constant 64 : i32
          %add3A_246 = arith.addi %add3A_182, %add3A_245 : i32
          %get3A_247 = arith.index_cast %add3A_172 : i32 to index
          %get3A_248 = arith.index_cast %add3A_246 : i32 to index
          %get3A_249 = tpu.vector_load %arg7[%get3A_247, %get3A_248] {strides = array<i32>} : memref<16x1024xf32, #tpu.memory_space<vmem>>, vector<1x16xf32>,
          %get3A_250 = vector.shape_cast %get3A_249 : vector<1x16xf32> to vector<16xf32>
          %get3A_251 = arith.index_cast %add3A_172 : i32 to index
          %get3A_252 = arith.index_cast %add3A_246 : i32 to index
          %get3A_253 = tpu.vector_load %arg9[%get3A_251, %get3A_252] {strides = array<i32>} : memref<16x1024xf32, #tpu.memory_space<vmem>>, vector<1x16xf32>,
          %get3A_254 = vector.shape_cast %get3A_253 : vector<1x16xf32> to vector<16xf32>
          %add3A_255 = arith.addf %get3A_250, %get3A_254 : vector<16xf32>
          %swap3A_256 = arith.index_cast %add3A_172 : i32 to index
          %swap3A_257 = arith.index_cast %add3A_246 : i32 to index
          %swap3A_258 = tpu.vector_load %arg11[%swap3A_256, %swap3A_257] {strides = array<i32>} : memref<16x1024xf32, #tpu.memory_space<vmem>>, vector<1x16xf32>,
          %swap3A_259 = vector.shape_cast %swap3A_258 : vector<1x16xf32> to vector<16xf32>
          %swap3A_260 = vector.shape_cast %add3A_255 : vector<16xf32> to vector<1x16xf32>
          tpu.vector_store %arg11[%swap3A_256, %swap3A_257], %swap3A_260 {strides = array<i32>} : memref<16x1024xf32, #tpu.memory_space<vmem>>, vector<1x16xf32>,
          %add3A_261 = arith.constant 80 : i32
          %add3A_262 = arith.addi %add3A_182, %add3A_261 : i32
          %get3A_263 = arith.index_cast %add3A_172 : i32 to index
          %get3A_264 = arith.index_cast %add3A_262 : i32 to index
          %get3A_265 = tpu.vector_load %arg7[%get3A_263, %get3A_264] {strides = array<i32>} : memref<16x1024xf32, #tpu.memory_space<vmem>>, vector<1x16xf32>,
          %get3A_266 = vector.shape_cast %get3A_265 : vector<1x16xf32> to vector<16xf32>
          %get3A_267 = arith.index_cast %add3A_172 : i32 to index
          %get3A_268 = arith.index_cast %add3A_262 : i32 to index
          %get3A_269 = tpu.vector_load %arg9[%get3A_267, %get3A_268] {strides = array<i32>} : memref<16x1024xf32, #tpu.memory_space<vmem>>, vector<1x16xf32>,
          %get3A_270 = vector.shape_cast %get3A_269 : vector<1x16xf32> to vector<16xf32>
          %add3A_271 = arith.addf %get3A_266, %get3A_270 : vector<16xf32>
          %swap3A_272 = arith.index_cast %add3A_172 : i32 to index
          %swap3A_273 = arith.index_cast %add3A_262 : i32 to index
          %swap3A_274 = tpu.vector_load %arg11[%swap3A_272, %swap3A_273] {strides = array<i32>} : memref<16x1024xf32, #tpu.memory_space<vmem>>, vector<1x16xf32>,
          %swap3A_275 = vector.shape_cast %swap3A_274 : vector<1x16xf32> to vector<16xf32>
          %swap3A_276 = vector.shape_cast %add3A_271 : vector<16xf32> to vector<1x16xf32>
          tpu.vector_store %arg11[%swap3A_272, %swap3A_273], %swap3A_276 {strides = array<i32>} : memref<16x1024xf32, #tpu.memory_space<vmem>>, vector<1x16xf32>,
          %add3A_277 = arith.constant 96 : i32
          %add3A_278 = arith.addi %add3A_182, %add3A_277 : i32
          %get3A_279 = arith.index_cast %add3A_172 : i32 to index
          %get3A_280 = arith.index_cast %add3A_278 : i32 to index
          %get3A_281 = tpu.vector_load %arg7[%get3A_279, %get3A_280] {strides = array<i32>} : memref<16x1024xf32, #tpu.memory_space<vmem>>, vector<1x16xf32>,
          %get3A_282 = vector.shape_cast %get3A_281 : vector<1x16xf32> to vector<16xf32>
          %get3A_283 = arith.index_cast %add3A_172 : i32 to index
          %get3A_284 = arith.index_cast %add3A_278 : i32 to index
          %get3A_285 = tpu.vector_load %arg9[%get3A_283, %get3A_284] {strides = array<i32>} : memref<16x1024xf32, #tpu.memory_space<vmem>>, vector<1x16xf32>,
          %get3A_286 = vector.shape_cast %get3A_285 : vector<1x16xf32> to vector<16xf32>
          %add3A_287 = arith.addf %get3A_282, %get3A_286 : vector<16xf32>
          %swap3A_288 = arith.index_cast %add3A_172 : i32 to index
          %swap3A_289 = arith.index_cast %add3A_278 : i32 to index
          %swap3A_290 = tpu.vector_load %arg11[%swap3A_288, %swap3A_289] {strides = array<i32>} : memref<16x1024xf32, #tpu.memory_space<vmem>>, vector<1x16xf32>,
          %swap3A_291 = vector.shape_cast %swap3A_290 : vector<1x16xf32> to vector<16xf32>
          %swap3A_292 = vector.shape_cast %add3A_287 : vector<16xf32> to vector<1x16xf32>
          tpu.vector_store %arg11[%swap3A_288, %swap3A_289], %swap3A_292 {strides = array<i32>} : memref<16x1024xf32, #tpu.memory_space<vmem>>, vector<1x16xf32>,
          %add3A_293 = arith.constant 112 : i32
          %add3A_294 = arith.addi %add3A_182, %add3A_293 : i32
          %get3A_295 = arith.index_cast %add3A_172 : i32 to index
          %get3A_296 = arith.index_cast %add3A_294 : i32 to index
          %get3A_297 = tpu.vector_load %arg7[%get3A_295, %get3A_296] {strides = array<i32>} : memref<16x1024xf32, #tpu.memory_space<vmem>>, vector<1x16xf32>,
          %get3A_298 = vector.shape_cast %get3A_297 : vector<1x16xf32> to vector<16xf32>
          %get3A_299 = arith.index_cast %add3A_172 : i32 to index
          %get3A_300 = arith.index_cast %add3A_294 : i32 to index
          %get3A_301 = tpu.vector_load %arg9[%get3A_299, %get3A_300] {strides = array<i32>} : memref<16x1024xf32, #tpu.memory_space<vmem>>, vector<1x16xf32>,
          %get3A_302 = vector.shape_cast %get3A_301 : vector<1x16xf32> to vector<16xf32>
          %add3A_303 = arith.addf %get3A_298, %get3A_302 : vector<16xf32>
          %swap3A_304 = arith.index_cast %add3A_172 : i32 to index
          %swap3A_305 = arith.index_cast %add3A_294 : i32 to index
          %swap3A_306 = tpu.vector_load %arg11[%swap3A_304, %swap3A_305] {strides = array<i32>} : memref<16x1024xf32, #tpu.memory_space<vmem>>, vector<1x16xf32>,
          %swap3A_307 = vector.shape_cast %swap3A_306 : vector<1x16xf32> to vector<16xf32>
          %swap3A_308 = vector.shape_cast %add3A_303 : vector<16xf32> to vector<1x16xf32>
          tpu.vector_store %arg11[%swap3A_304, %swap3A_305], %swap3A_308 {strides = array<i32>} : memref<16x1024xf32, #tpu.memory_space<vmem>>, vector<1x16xf32>,
          %add3A_309 = arith.constant 128 : i32
          %add3A_310 = arith.addi %add3A_182, %add3A_309 : i32
          %get3A_311 = arith.index_cast %add3A_172 : i32 to index
          %get3A_312 = arith.index_cast %add3A_310 : i32 to index
          %get3A_313 = tpu.vector_load %arg7[%get3A_311, %get3A_312] {strides = array<i32>} : memref<16x1024xf32, #tpu.memory_space<vmem>>, vector<1x16xf32>,
          %get3A_314 = vector.shape_cast %get3A_313 : vector<1x16xf32> to vector<16xf32>
          %get3A_315 = arith.index_cast %add3A_172 : i32 to index
          %get3A_316 = arith.index_cast %add3A_310 : i32 to index
          %get3A_317 = tpu.vector_load %arg9[%get3A_315, %get3A_316] {strides = array<i32>} : memref<16x1024xf32, #tpu.memory_space<vmem>>, vector<1x16xf32>,
          %get3A_318 = vector.shape_cast %get3A_317 : vector<1x16xf32> to vector<16xf32>
          %add3A_319 = arith.addf %get3A_314, %get3A_318 : vector<16xf32>
          %swap3A_320 = arith.index_cast %add3A_172 : i32 to index
          %swap3A_321 = arith.index_cast %add3A_310 : i32 to index
          %swap3A_322 = tpu.vector_load %arg11[%swap3A_320, %swap3A_321] {strides = array<i32>} : memref<16x1024xf32, #tpu.memory_space<vmem>>, vector<1x16xf32>,
          %swap3A_323 = vector.shape_cast %swap3A_322 : vector<1x16xf32> to vector<16xf32>
          %swap3A_324 = vector.shape_cast %add3A_319 : vector<16xf32> to vector<1x16xf32>
          tpu.vector_store %arg11[%swap3A_320, %swap3A_321], %swap3A_324 {strides = array<i32>} : memref<16x1024xf32, #tpu.memory_space<vmem>>, vector<1x16xf32>,
          %add3A_325 = arith.constant 144 : i32
          %add3A_326 = arith.addi %add3A_182, %add3A_325 : i32
          %get3A_327 = arith.index_cast %add3A_172 : i32 to index
          %get3A_328 = arith.index_cast %add3A_326 : i32 to index
          %get3A_329 = tpu.vector_load %arg7[%get3A_327, %get3A_328] {strides = array<i32>} : memref<16x1024xf32, #tpu.memory_space<vmem>>, vector<1x16xf32>,
          %get3A_330 = vector.shape_cast %get3A_329 : vector<1x16xf32> to vector<16xf32>
          %get3A_331 = arith.index_cast %add3A_172 : i32 to index
          %get3A_332 = arith.index_cast %add3A_326 : i32 to index
          %get3A_333 = tpu.vector_load %arg9[%get3A_331, %get3A_332] {strides = array<i32>} : memref<16x1024xf32, #tpu.memory_space<vmem>>, vector<1x16xf32>,
          %get3A_334 = vector.shape_cast %get3A_333 : vector<1x16xf32> to vector<16xf32>
          %add3A_335 = arith.addf %get3A_330, %get3A_334 : vector<16xf32>
          %swap3A_336 = arith.index_cast %add3A_172 : i32 to index
          %swap3A_337 = arith.index_cast %add3A_326 : i32 to index
          %swap3A_338 = tpu.vector_load %arg11[%swap3A_336, %swap3A_337] {strides = array<i32>} : memref<16x1024xf32, #tpu.memory_space<vmem>>, vector<1x16xf32>,
          %swap3A_339 = vector.shape_cast %swap3A_338 : vector<1x16xf32> to vector<16xf32>
          %swap3A_340 = vector.shape_cast %add3A_335 : vector<16xf32> to vector<1x16xf32>
          tpu.vector_store %arg11[%swap3A_336, %swap3A_337], %swap3A_340 {strides = array<i32>} : memref<16x1024xf32, #tpu.memory_space<vmem>>, vector<1x16xf32>,
          %add3A_341 = arith.constant 160 : i32
          %add3A_342 = arith.addi %add3A_182, %add3A_341 : i32
          %get3A_343 = arith.index_cast %add3A_172 : i32 to index
          %get3A_344 = arith.index_cast %add3A_342 : i32 to index
          %get3A_345 = tpu.vector_load %arg7[%get3A_343, %get3A_344] {strides = array<i32>} : memref<16x1024xf32, #tpu.memory_space<vmem>>, vector<1x16xf32>,
          %get3A_346 = vector.shape_cast %get3A_345 : vector<1x16xf32> to vector<16xf32>
          %get3A_347 = arith.index_cast %add3A_172 : i32 to index
          %get3A_348 = arith.index_cast %add3A_342 : i32 to index
          %get3A_349 = tpu.vector_load %arg9[%get3A_347, %get3A_348] {strides = array<i32>} : memref<16x1024xf32, #tpu.memory_space<vmem>>, vector<1x16xf32>,
          %get3A_350 = vector.shape_cast %get3A_349 : vector<1x16xf32> to vector<16xf32>
          %add3A_351 = arith.addf %get3A_346, %get3A_350 : vector<16xf32>
          %swap3A_352 = arith.index_cast %add3A_172 : i32 to index
          %swap3A_353 = arith.index_cast %add3A_342 : i32 to index
          %swap3A_354 = tpu.vector_load %arg11[%swap3A_352, %swap3A_353] {strides = array<i32>} : memref<16x1024xf32, #tpu.memory_space<vmem>>, vector<1x16xf32>,
          %swap3A_355 = vector.shape_cast %swap3A_354 : vector<1x16xf32> to vector<16xf32>
          %swap3A_356 = vector.shape_cast %add3A_351 : vector<16xf32> to vector<1x16xf32>
          tpu.vector_store %arg11[%swap3A_352, %swap3A_353], %swap3A_356 {strides = array<i32>} : memref<16x1024xf32, #tpu.memory_space<vmem>>, vector<1x16xf32>,
          %add3A_357 = arith.constant 176 : i32
          %add3A_358 = arith.addi %add3A_182, %add3A_357 : i32
          %get3A_359 = arith.index_cast %add3A_172 : i32 to index
          %get3A_360 = arith.index_cast %add3A_358 : i32 to index
          %get3A_361 = tpu.vector_load %arg7[%get3A_359, %get3A_360] {strides = array<i32>} : memref<16x1024xf32, #tpu.memory_space<vmem>>, vector<1x16xf32>,
          %get3A_362 = vector.shape_cast %get3A_361 : vector<1x16xf32> to vector<16xf32>
          %get3A_363 = arith.index_cast %add3A_172 : i32 to index
          %get3A_364 = arith.index_cast %add3A_358 : i32 to index
          %get3A_365 = tpu.vector_load %arg9[%get3A_363, %get3A_364] {strides = array<i32>} : memref<16x1024xf32, #tpu.memory_space<vmem>>, vector<1x16xf32>,
          %get3A_366 = vector.shape_cast %get3A_365 : vector<1x16xf32> to vector<16xf32>
          %add3A_367 = arith.addf %get3A_362, %get3A_366 : vector<16xf32>
          %swap3A_368 = arith.index_cast %add3A_172 : i32 to index
          %swap3A_369 = arith.index_cast %add3A_358 : i32 to index
          %swap3A_370 = tpu.vector_load %arg11[%swap3A_368, %swap3A_369] {strides = array<i32>} : memref<16x1024xf32, #tpu.memory_space<vmem>>, vector<1x16xf32>,
          %swap3A_371 = vector.shape_cast %swap3A_370 : vector<1x16xf32> to vector<16xf32>
          %swap3A_372 = vector.shape_cast %add3A_367 : vector<16xf32> to vector<1x16xf32>
          tpu.vector_store %arg11[%swap3A_368, %swap3A_369], %swap3A_372 {strides = array<i32>} : memref<16x1024xf32, #tpu.memory_space<vmem>>, vector<1x16xf32>,
          %add3A_373 = arith.constant 192 : i32
          %add3A_374 = arith.addi %add3A_182, %add3A_373 : i32
          %get3A_375 = arith.index_cast %add3A_172 : i32 to index
          %get3A_376 = arith.index_cast %add3A_374 : i32 to index
          %get3A_377 = tpu.vector_load %arg7[%get3A_375, %get3A_376] {strides = array<i32>} : memref<16x1024xf32, #tpu.memory_space<vmem>>, vector<1x16xf32>,
          %get3A_378 = vector.shape_cast %get3A_377 : vector<1x16xf32> to vector<16xf32>
          %get3A_379 = arith.index_cast %add3A_172 : i32 to index
          %get3A_380 = arith.index_cast %add3A_374 : i32 to index
          %get3A_381 = tpu.vector_load %arg9[%get3A_379, %get3A_380] {strides = array<i32>} : memref<16x1024xf32, #tpu.memory_space<vmem>>, vector<1x16xf32>,
          %get3A_382 = vector.shape_cast %get3A_381 : vector<1x16xf32> to vector<16xf32>
          %add3A_383 = arith.addf %get3A_378, %get3A_382 : vector<16xf32>
          %swap3A_384 = arith.index_cast %add3A_172 : i32 to index
          %swap3A_385 = arith.index_cast %add3A_374 : i32 to index
          %swap3A_386 = tpu.vector_load %arg11[%swap3A_384, %swap3A_385] {strides = array<i32>} : memref<16x1024xf32, #tpu.memory_space<vmem>>, vector<1x16xf32>,
          %swap3A_387 = vector.shape_cast %swap3A_386 : vector<1x16xf32> to vector<16xf32>
          %swap3A_388 = vector.shape_cast %add3A_383 : vector<16xf32> to vector<1x16xf32>
          tpu.vector_store %arg11[%swap3A_384, %swap3A_385], %swap3A_388 {strides = array<i32>} : memref<16x1024xf32, #tpu.memory_space<vmem>>, vector<1x16xf32>,
          %add3A_389 = arith.constant 208 : i32
          %add3A_390 = arith.addi %add3A_182, %add3A_389 : i32
          %get3A_391 = arith.index_cast %add3A_172 : i32 to index
          %get3A_392 = arith.index_cast %add3A_390 : i32 to index
          %get3A_393 = tpu.vector_load %arg7[%get3A_391, %get3A_392] {strides = array<i32>} : memref<16x1024xf32, #tpu.memory_space<vmem>>, vector<1x16xf32>,
          %get3A_394 = vector.shape_cast %get3A_393 : vector<1x16xf32> to vector<16xf32>
          %get3A_395 = arith.index_cast %add3A_172 : i32 to index
          %get3A_396 = arith.index_cast %add3A_390 : i32 to index
          %get3A_397 = tpu.vector_load %arg9[%get3A_395, %get3A_396] {strides = array<i32>} : memref<16x1024xf32, #tpu.memory_space<vmem>>, vector<1x16xf32>,
          %get3A_398 = vector.shape_cast %get3A_397 : vector<1x16xf32> to vector<16xf32>
          %add3A_399 = arith.addf %get3A_394, %get3A_398 : vector<16xf32>
          %swap3A_400 = arith.index_cast %add3A_172 : i32 to index
          %swap3A_401 = arith.index_cast %add3A_390 : i32 to index
          %swap3A_402 = tpu.vector_load %arg11[%swap3A_400, %swap3A_401] {strides = array<i32>} : memref<16x1024xf32, #tpu.memory_space<vmem>>, vector<1x16xf32>,
          %swap3A_403 = vector.shape_cast %swap3A_402 : vector<1x16xf32> to vector<16xf32>
          %swap3A_404 = vector.shape_cast %add3A_399 : vector<16xf32> to vector<1x16xf32>
          tpu.vector_store %arg11[%swap3A_400, %swap3A_401], %swap3A_404 {strides = array<i32>} : memref<16x1024xf32, #tpu.memory_space<vmem>>, vector<1x16xf32>,
          %add3A_405 = arith.constant 224 : i32
          %add3A_406 = arith.addi %add3A_182, %add3A_405 : i32
          %get3A_407 = arith.index_cast %add3A_172 : i32 to index
          %get3A_408 = arith.index_cast %add3A_406 : i32 to index
          %get3A_409 = tpu.vector_load %arg7[%get3A_407, %get3A_408] {strides = array<i32>} : memref<16x1024xf32, #tpu.memory_space<vmem>>, vector<1x16xf32>,
          %get3A_410 = vector.shape_cast %get3A_409 : vector<1x16xf32> to vector<16xf32>
          %get3A_411 = arith.index_cast %add3A_172 : i32 to index
          %get3A_412 = arith.index_cast %add3A_406 : i32 to index
          %get3A_413 = tpu.vector_load %arg9[%get3A_411, %get3A_412] {strides = array<i32>} : memref<16x1024xf32, #tpu.memory_space<vmem>>, vector<1x16xf32>,
          %get3A_414 = vector.shape_cast %get3A_413 : vector<1x16xf32> to vector<16xf32>
          %add3A_415 = arith.addf %get3A_410, %get3A_414 : vector<16xf32>
          %swap3A_416 = arith.index_cast %add3A_172 : i32 to index
          %swap3A_417 = arith.index_cast %add3A_406 : i32 to index
          %swap3A_418 = tpu.vector_load %arg11[%swap3A_416, %swap3A_417] {strides = array<i32>} : memref<16x1024xf32, #tpu.memory_space<vmem>>, vector<1x16xf32>,
          %swap3A_419 = vector.shape_cast %swap3A_418 : vector<1x16xf32> to vector<16xf32>
          %swap3A_420 = vector.shape_cast %add3A_415 : vector<16xf32> to vector<1x16xf32>
          tpu.vector_store %arg11[%swap3A_416, %swap3A_417], %swap3A_420 {strides = array<i32>} : memref<16x1024xf32, #tpu.memory_space<vmem>>, vector<1x16xf32>,
          %add3A_421 = arith.constant 240 : i32
          %add3A_422 = arith.addi %add3A_182, %add3A_421 : i32
          %get3A_423 = arith.index_cast %add3A_172 : i32 to index
          %get3A_424 = arith.index_cast %add3A_422 : i32 to index
          %get3A_425 = tpu.vector_load %arg7[%get3A_423, %get3A_424] {strides = array<i32>} : memref<16x1024xf32, #tpu.memory_space<vmem>>, vector<1x16xf32>,
          %get3A_426 = vector.shape_cast %get3A_425 : vector<1x16xf32> to vector<16xf32>
          %get3A_427 = arith.index_cast %add3A_172 : i32 to index
          %get3A_428 = arith.index_cast %add3A_422 : i32 to index
          %get3A_429 = tpu.vector_load %arg9[%get3A_427, %get3A_428] {strides = array<i32>} : memref<16x1024xf32, #tpu.memory_space<vmem>>, vector<1x16xf32>,
          %get3A_430 = vector.shape_cast %get3A_429 : vector<1x16xf32> to vector<16xf32>
          %add3A_431 = arith.addf %get3A_426, %get3A_430 : vector<16xf32>
          %swap3A_432 = arith.index_cast %add3A_172 : i32 to index
          %swap3A_433 = arith.index_cast %add3A_422 : i32 to index
          %swap3A_434 = tpu.vector_load %arg11[%swap3A_432, %swap3A_433] {strides = array<i32>} : memref<16x1024xf32, #tpu.memory_space<vmem>>, vector<1x16xf32>,
          %swap3A_435 = vector.shape_cast %swap3A_434 : vector<1x16xf32> to vector<16xf32>
          %swap3A_436 = vector.shape_cast %add3A_431 : vector<16xf32> to vector<1x16xf32>
          tpu.vector_store %arg11[%swap3A_432, %swap3A_433], %swap3A_436 {strides = array<i32>} : memref<16x1024xf32, #tpu.memory_space<vmem>>, vector<1x16xf32>,
        }
        %scan3A_177 = arith.constant 4 : i32
      }
      %scan3A_108 = arith.constant 16 : i32
      %add3A_109 = arith.constant 2 : i32
      %add3A_110 = arith.addi %add3A_86, %add3A_109 : i32
      %lt3A_111 = arith.constant 16 : i32
      %lt3A_112 = arith.cmpi slt, %add3A_110, %lt3A_111 : i32
      %convert_element_type3A_113 = arith.extui %lt3A_112 : i1 to i32
      %cond3A_114 = arith.constant 0 : i32
      %cond3A_115 = arith.cmpi ne, %convert_element_type3A_113, %cond3A_114 : i32
      scf.if %cond3A_115 {
        %add3A_168 = arith.constant 2 : i32
        %add3A_169 = arith.addi %add3A_86, %add3A_168 : i32
        %mul3A_170 = arith.constant 16 : i32
        %mul3A_171 = arith.muli %add3A_169, %mul3A_170 : i32
        %add3A_172 = arith.addi %mul3A_32, %mul3A_171 : i32
        %dma_start3A_173 = arith.constant 0 : i32
        %dma_start3A_174 = tpu.memref_slice %arg2[%add3A_172, %select_n3A, %dma_start3A_173] : memref<2048x4x1024xf32, #tpu.memory_space<hbm>> -> memref<16x1x1024xf32, #tpu.memory_space<hbm>>
        %dma_start3A_175 = tpu.memref_squeeze %dma_start3A_174 : memref<16x1x1024xf32, #tpu.memory_space<hbm>> -> memref<16x1024xf32, #tpu.memory_space<hbm>>
        %dma_start3A_176 = arith.constant 0 : i32
        %dma_start3A_177 = tpu.memref_slice %arg2[%add3A_172, %select_n3A, %dma_start3A_176] : memref<2048x4x1024xf32, #tpu.memory_space<hbm>> -> memref<16x1x1024xf32, #tpu.memory_space<hbm>>
        %dma_start3A_178 = tpu.memref_squeeze %dma_start3A_177 : memref<16x1x1024xf32, #tpu.memory_space<hbm>> -> memref<16x1024xf32, #tpu.memory_space<hbm>>
        tpu.enqueue_dma source(%dma_start3A_178 : memref<16x1024xf32, #tpu.memory_space<hbm>>) target(%arg7 : memref<16x1024xf32, #tpu.memory_space<vmem>>) target_semaphore(%arg13 : memref<!tpu.dma_semaphore, #tpu.memory_space<semaphore_mem>>)
        %mul3A_179 = arith.constant 16 : i32
        %mul3A_180 = arith.muli %add3A_169, %mul3A_179 : i32
        %dma_start3A_181 = tpu.memref_slice %arg6[%mul3A_180] : memref<256xi32, #tpu.memory_space<vmem>> -> memref<16xi32, #tpu.memory_space<vmem>>
        %dma_start3A_182 = arith.constant 0 : i32
        %dma_start3A_183 = arith.constant 0 : i32
        %dma_start3A_184 = tpu.memref_slice %arg4[%dma_start3A_182, %dma_start3A_183] : memref<360x1024xf32, #tpu.memory_space<hbm>> -> memref<360x1024xf32, #tpu.memory_space<hbm>>
        tpu.enqueue_indirect_dma source(%dma_start3A_184 : memref<360x1024xf32, #tpu.memory_space<hbm>>) target(%arg9 : memref<16x1024xf32, #tpu.memory_space<vmem>>) offsets(%dma_start3A_181 : memref<16xi32, #tpu.memory_space<vmem>>) semaphore(%arg15 : memref<!tpu.dma_semaphore, #tpu.memory_space<semaphore_mem>>)
      } else {
      }
      %mul3A_116 = arith.constant 16 : i32
      %mul3A_117 = arith.muli %add3A_86, %mul3A_116 : i32
      %add3A_118 = arith.addi %mul3A_32, %mul3A_117 : i32
      %dma_start3A_119 = arith.constant 0 : i32
      %dma_start3A_120 = tpu.memref_slice %arg5[%add3A_118, %select_n3A, %dma_start3A_119] : memref<2048x4x1024xf32, #tpu.memory_space<hbm>> -> memref<16x1x1024xf32, #tpu.memory_space<hbm>>
      %dma_start3A_121 = tpu.memref_squeeze %dma_start3A_120 : memref<16x1x1024xf32, #tpu.memory_space<hbm>> -> memref<16x1024xf32, #tpu.memory_space<hbm>>
      %dma_start3A_122 = arith.constant 0 : i32
      %dma_start3A_123 = tpu.memref_slice %arg5[%add3A_118, %select_n3A, %dma_start3A_122] : memref<2048x4x1024xf32, #tpu.memory_space<hbm>> -> memref<16x1x1024xf32, #tpu.memory_space<hbm>>
      %dma_start3A_124 = tpu.memref_squeeze %dma_start3A_123 : memref<16x1x1024xf32, #tpu.memory_space<hbm>> -> memref<16x1024xf32, #tpu.memory_space<hbm>>
      tpu.enqueue_dma source(%arg11 : memref<16x1024xf32, #tpu.memory_space<vmem>>) target(%dma_start3A_124 : memref<16x1024xf32, #tpu.memory_space<hbm>>) target_semaphore(%arg17 : memref<!tpu.dma_semaphore, #tpu.memory_space<semaphore_mem>>)
      %add3A_125 = arith.constant 1 : i32
      %add3A_126 = arith.addi %add3A_84, %add3A_125 : i32
      %mul3A_127 = arith.constant 16 : i32
      %mul3A_128 = arith.muli %add3A_126, %mul3A_127 : i32
      %add3A_129 = arith.addi %mul3A_32, %mul3A_128 : i32
      %dma_wait3A_130 = arith.constant 0 : i32
      %dma_wait3A_131 = tpu.memref_slice %arg2[%add3A_129, %select_n3A, %dma_wait3A_130] : memref<2048x4x1024xf32, #tpu.memory_space<hbm>> -> memref<16x1x1024xf32, #tpu.memory_space<hbm>>
      %dma_wait3A_132 = tpu.memref_squeeze %dma_wait3A_131 : memref<16x1x1024xf32, #tpu.memory_space<hbm>> -> memref<16x1024xf32, #tpu.memory_space<hbm>>
      %dma_wait3A_133 = arith.constant 0 : i32
      %dma_wait3A_134 = tpu.memref_slice %arg2[%add3A_129, %select_n3A, %dma_wait3A_133] : memref<2048x4x1024xf32, #tpu.memory_space<hbm>> -> memref<16x1x1024xf32, #tpu.memory_space<hbm>>
      %dma_wait3A_135 = tpu.memref_squeeze %dma_wait3A_134 : memref<16x1x1024xf32, #tpu.memory_space<hbm>> -> memref<16x1024xf32, #tpu.memory_space<hbm>>
      tpu.wait_dma2 semaphore(%arg14 : memref<!tpu.dma_semaphore, #tpu.memory_space<semaphore_mem>>) src(%dma_wait3A_135 : memref<16x1024xf32, #tpu.memory_space<hbm>>) dst(%arg8 : memref<16x1024xf32, #tpu.memory_space<vmem>>)
      %mul3A_136 = arith.constant 16 : i32
      %mul3A_137 = arith.muli %add3A_126, %mul3A_136 : i32
      %dma_wait3A_138 = tpu.memref_slice %arg6[%mul3A_137] : memref<256xi32, #tpu.memory_space<vmem>> -> memref<16xi32, #tpu.memory_space<vmem>>
      %dma_wait3A_139 = arith.constant 0 : i32
      %dma_wait3A_140 = arith.constant 0 : i32
      %dma_wait3A_141 = tpu.memref_slice %arg4[%dma_wait3A_139, %dma_wait3A_140] : memref<360x1024xf32, #tpu.memory_space<hbm>> -> memref<360x1024xf32, #tpu.memory_space<hbm>>
      tpu.wait_indirect_dma semaphore(%arg16 : memref<!tpu.dma_semaphore, #tpu.memory_space<semaphore_mem>>) src(%dma_wait3A_141 : memref<360x1024xf32, #tpu.memory_space<hbm>>) dst(%arg10 : memref<16x1024xf32, #tpu.memory_space<vmem>>)
      %ge3A_142 = arith.constant 2 : i32
      %ge3A_143 = arith.cmpi sge, %add3A_126, %ge3A_142 : i32
      %convert_element_type3A_144 = arith.extui %ge3A_143 : i1 to i32
      %cond3A_145 = arith.constant 0 : i32
      %cond3A_146 = arith.cmpi ne, %convert_element_type3A_144, %cond3A_145 : i32
      scf.if %cond3A_146 {
        %sub3A_168 = arith.constant 2 : i32
        %sub3A_169 = arith.subi %add3A_126, %sub3A_168 : i32
        %mul3A_170 = arith.constant 16 : i32
        %mul3A_171 = arith.muli %sub3A_169, %mul3A_170 : i32
        %add3A_172 = arith.addi %mul3A_32, %mul3A_171 : i32
        %dma_wait3A_173 = arith.constant 0 : i32
        %dma_wait3A_174 = tpu.memref_slice %arg5[%add3A_172, %select_n3A, %dma_wait3A_173] : memref<2048x4x1024xf32, #tpu.memory_space<hbm>> -> memref<16x1x1024xf32, #tpu.memory_space<hbm>>
        %dma_wait3A_175 = tpu.memref_squeeze %dma_wait3A_174 : memref<16x1x1024xf32, #tpu.memory_space<hbm>> -> memref<16x1024xf32, #tpu.memory_space<hbm>>
        %dma_wait3A_176 = arith.constant 0 : i32
        %dma_wait3A_177 = tpu.memref_slice %arg5[%add3A_172, %select_n3A, %dma_wait3A_176] : memref<2048x4x1024xf32, #tpu.memory_space<hbm>> -> memref<16x1x1024xf32, #tpu.memory_space<hbm>>
        %dma_wait3A_178 = tpu.memref_squeeze %dma_wait3A_177 : memref<16x1x1024xf32, #tpu.memory_space<hbm>> -> memref<16x1024xf32, #tpu.memory_space<hbm>>
        tpu.wait_dma2 semaphore(%arg18 : memref<!tpu.dma_semaphore, #tpu.memory_space<semaphore_mem>>) src(%arg12 : memref<16x1024xf32, #tpu.memory_space<vmem>>) dst(%dma_wait3A_178 : memref<16x1024xf32, #tpu.memory_space<hbm>>)
      } else {
      }
      %scan3A_147 = arith.constant 0 : i32
      %scan3A_148 = arith.constant 16 : i32
      %scan3A_149 = arith.addi %scan3A_147, %scan3A_148 : i32
      %scan3A_150 = arith.constant 1 : i32
      scf.for %scan3A_168 = %scan3A_147 to %scan3A_149 step %scan3A_150  : i32 {
        %mul3A_169 = arith.constant 1 : i32
        %mul3A_170 = arith.muli %scan3A_168, %mul3A_169 : i32
        %add3A_171 = arith.constant 0 : i32
        %add3A_172 = arith.addi %add3A_171, %mul3A_170 : i32
        %scan3A_173 = arith.constant 0 : i32
        %scan3A_174 = arith.constant 4 : i32
        %scan3A_175 = arith.addi %scan3A_173, %scan3A_174 : i32
        %scan3A_176 = arith.constant 1 : i32
        scf.for %scan3A_178 = %scan3A_173 to %scan3A_175 step %scan3A_176  : i32 {
          %mul3A_179 = arith.constant 256 : i32
          %mul3A_180 = arith.muli %scan3A_178, %mul3A_179 : i32
          %add3A_181 = arith.constant 0 : i32
          %add3A_182 = arith.addi %add3A_181, %mul3A_180 : i32
          %add3A_183 = arith.constant 0 : i32
          %add3A_184 = arith.addi %add3A_182, %add3A_183 : i32
          %get3A = arith.index_cast %add3A_172 : i32 to index
          %get3A_185 = arith.index_cast %add3A_184 : i32 to index
          %get3A_186 = tpu.vector_load %arg8[%get3A, %get3A_185] {strides = array<i32>} : memref<16x1024xf32, #tpu.memory_space<vmem>>, vector<1x16xf32>,
          %get3A_187 = vector.shape_cast %get3A_186 : vector<1x16xf32> to vector<16xf32>
          %get3A_188 = arith.index_cast %add3A_172 : i32 to index
          %get3A_189 = arith.index_cast %add3A_184 : i32 to index
          %get3A_190 = tpu.vector_load %arg10[%get3A_188, %get3A_189] {strides = array<i32>} : memref<16x1024xf32, #tpu.memory_space<vmem>>, vector<1x16xf32>,
          %get3A_191 = vector.shape_cast %get3A_190 : vector<1x16xf32> to vector<16xf32>
          %add3A_192 = arith.addf %get3A_187, %get3A_191 : vector<16xf32>
          %swap3A = arith.index_cast %add3A_172 : i32 to index
          %swap3A_193 = arith.index_cast %add3A_184 : i32 to index
          %swap3A_194 = tpu.vector_load %arg12[%swap3A, %swap3A_193] {strides = array<i32>} : memref<16x1024xf32, #tpu.memory_space<vmem>>, vector<1x16xf32>,
          %swap3A_195 = vector.shape_cast %swap3A_194 : vector<1x16xf32> to vector<16xf32>
          %swap3A_196 = vector.shape_cast %add3A_192 : vector<16xf32> to vector<1x16xf32>
          tpu.vector_store %arg12[%swap3A, %swap3A_193], %swap3A_196 {strides = array<i32>} : memref<16x1024xf32, #tpu.memory_space<vmem>>, vector<1x16xf32>,
          %add3A_197 = arith.constant 16 : i32
          %add3A_198 = arith.addi %add3A_182, %add3A_197 : i32
          %get3A_199 = arith.index_cast %add3A_172 : i32 to index
          %get3A_200 = arith.index_cast %add3A_198 : i32 to index
          %get3A_201 = tpu.vector_load %arg8[%get3A_199, %get3A_200] {strides = array<i32>} : memref<16x1024xf32, #tpu.memory_space<vmem>>, vector<1x16xf32>,
          %get3A_202 = vector.shape_cast %get3A_201 : vector<1x16xf32> to vector<16xf32>
          %get3A_203 = arith.index_cast %add3A_172 : i32 to index
          %get3A_204 = arith.index_cast %add3A_198 : i32 to index
          %get3A_205 = tpu.vector_load %arg10[%get3A_203, %get3A_204] {strides = array<i32>} : memref<16x1024xf32, #tpu.memory_space<vmem>>, vector<1x16xf32>,
          %get3A_206 = vector.shape_cast %get3A_205 : vector<1x16xf32> to vector<16xf32>
          %add3A_207 = arith.addf %get3A_202, %get3A_206 : vector<16xf32>
          %swap3A_208 = arith.index_cast %add3A_172 : i32 to index
          %swap3A_209 = arith.index_cast %add3A_198 : i32 to index
          %swap3A_210 = tpu.vector_load %arg12[%swap3A_208, %swap3A_209] {strides = array<i32>} : memref<16x1024xf32, #tpu.memory_space<vmem>>, vector<1x16xf32>,
          %swap3A_211 = vector.shape_cast %swap3A_210 : vector<1x16xf32> to vector<16xf32>
          %swap3A_212 = vector.shape_cast %add3A_207 : vector<16xf32> to vector<1x16xf32>
          tpu.vector_store %arg12[%swap3A_208, %swap3A_209], %swap3A_212 {strides = array<i32>} : memref<16x1024xf32, #tpu.memory_space<vmem>>, vector<1x16xf32>,
          %add3A_213 = arith.constant 32 : i32
          %add3A_214 = arith.addi %add3A_182, %add3A_213 : i32
          %get3A_215 = arith.index_cast %add3A_172 : i32 to index
          %get3A_216 = arith.index_cast %add3A_214 : i32 to index
          %get3A_217 = tpu.vector_load %arg8[%get3A_215, %get3A_216] {strides = array<i32>} : memref<16x1024xf32, #tpu.memory_space<vmem>>, vector<1x16xf32>,
          %get3A_218 = vector.shape_cast %get3A_217 : vector<1x16xf32> to vector<16xf32>
          %get3A_219 = arith.index_cast %add3A_172 : i32 to index
          %get3A_220 = arith.index_cast %add3A_214 : i32 to index
          %get3A_221 = tpu.vector_load %arg10[%get3A_219, %get3A_220] {strides = array<i32>} : memref<16x1024xf32, #tpu.memory_space<vmem>>, vector<1x16xf32>,
          %get3A_222 = vector.shape_cast %get3A_221 : vector<1x16xf32> to vector<16xf32>
          %add3A_223 = arith.addf %get3A_218, %get3A_222 : vector<16xf32>
          %swap3A_224 = arith.index_cast %add3A_172 : i32 to index
          %swap3A_225 = arith.index_cast %add3A_214 : i32 to index
          %swap3A_226 = tpu.vector_load %arg12[%swap3A_224, %swap3A_225] {strides = array<i32>} : memref<16x1024xf32, #tpu.memory_space<vmem>>, vector<1x16xf32>,
          %swap3A_227 = vector.shape_cast %swap3A_226 : vector<1x16xf32> to vector<16xf32>
          %swap3A_228 = vector.shape_cast %add3A_223 : vector<16xf32> to vector<1x16xf32>
          tpu.vector_store %arg12[%swap3A_224, %swap3A_225], %swap3A_228 {strides = array<i32>} : memref<16x1024xf32, #tpu.memory_space<vmem>>, vector<1x16xf32>,
          %add3A_229 = arith.constant 48 : i32
          %add3A_230 = arith.addi %add3A_182, %add3A_229 : i32
          %get3A_231 = arith.index_cast %add3A_172 : i32 to index
          %get3A_232 = arith.index_cast %add3A_230 : i32 to index
          %get3A_233 = tpu.vector_load %arg8[%get3A_231, %get3A_232] {strides = array<i32>} : memref<16x1024xf32, #tpu.memory_space<vmem>>, vector<1x16xf32>,
          %get3A_234 = vector.shape_cast %get3A_233 : vector<1x16xf32> to vector<16xf32>
          %get3A_235 = arith.index_cast %add3A_172 : i32 to index
          %get3A_236 = arith.index_cast %add3A_230 : i32 to index
          %get3A_237 = tpu.vector_load %arg10[%get3A_235, %get3A_236] {strides = array<i32>} : memref<16x1024xf32, #tpu.memory_space<vmem>>, vector<1x16xf32>,
          %get3A_238 = vector.shape_cast %get3A_237 : vector<1x16xf32> to vector<16xf32>
          %add3A_239 = arith.addf %get3A_234, %get3A_238 : vector<16xf32>
          %swap3A_240 = arith.index_cast %add3A_172 : i32 to index
          %swap3A_241 = arith.index_cast %add3A_230 : i32 to index
          %swap3A_242 = tpu.vector_load %arg12[%swap3A_240, %swap3A_241] {strides = array<i32>} : memref<16x1024xf32, #tpu.memory_space<vmem>>, vector<1x16xf32>,
          %swap3A_243 = vector.shape_cast %swap3A_242 : vector<1x16xf32> to vector<16xf32>
          %swap3A_244 = vector.shape_cast %add3A_239 : vector<16xf32> to vector<1x16xf32>
          tpu.vector_store %arg12[%swap3A_240, %swap3A_241], %swap3A_244 {strides = array<i32>} : memref<16x1024xf32, #tpu.memory_space<vmem>>, vector<1x16xf32>,
          %add3A_245 = arith.constant 64 : i32
          %add3A_246 = arith.addi %add3A_182, %add3A_245 : i32
          %get3A_247 = arith.index_cast %add3A_172 : i32 to index
          %get3A_248 = arith.index_cast %add3A_246 : i32 to index
          %get3A_249 = tpu.vector_load %arg8[%get3A_247, %get3A_248] {strides = array<i32>} : memref<16x1024xf32, #tpu.memory_space<vmem>>, vector<1x16xf32>,
          %get3A_250 = vector.shape_cast %get3A_249 : vector<1x16xf32> to vector<16xf32>
          %get3A_251 = arith.index_cast %add3A_172 : i32 to index
          %get3A_252 = arith.index_cast %add3A_246 : i32 to index
          %get3A_253 = tpu.vector_load %arg10[%get3A_251, %get3A_252] {strides = array<i32>} : memref<16x1024xf32, #tpu.memory_space<vmem>>, vector<1x16xf32>,
          %get3A_254 = vector.shape_cast %get3A_253 : vector<1x16xf32> to vector<16xf32>
          %add3A_255 = arith.addf %get3A_250, %get3A_254 : vector<16xf32>
          %swap3A_256 = arith.index_cast %add3A_172 : i32 to index
          %swap3A_257 = arith.index_cast %add3A_246 : i32 to index
          %swap3A_258 = tpu.vector_load %arg12[%swap3A_256, %swap3A_257] {strides = array<i32>} : memref<16x1024xf32, #tpu.memory_space<vmem>>, vector<1x16xf32>,
          %swap3A_259 = vector.shape_cast %swap3A_258 : vector<1x16xf32> to vector<16xf32>
          %swap3A_260 = vector.shape_cast %add3A_255 : vector<16xf32> to vector<1x16xf32>
          tpu.vector_store %arg12[%swap3A_256, %swap3A_257], %swap3A_260 {strides = array<i32>} : memref<16x1024xf32, #tpu.memory_space<vmem>>, vector<1x16xf32>,
          %add3A_261 = arith.constant 80 : i32
          %add3A_262 = arith.addi %add3A_182, %add3A_261 : i32
          %get3A_263 = arith.index_cast %add3A_172 : i32 to index
          %get3A_264 = arith.index_cast %add3A_262 : i32 to index
          %get3A_265 = tpu.vector_load %arg8[%get3A_263, %get3A_264] {strides = array<i32>} : memref<16x1024xf32, #tpu.memory_space<vmem>>, vector<1x16xf32>,
          %get3A_266 = vector.shape_cast %get3A_265 : vector<1x16xf32> to vector<16xf32>
          %get3A_267 = arith.index_cast %add3A_172 : i32 to index
          %get3A_268 = arith.index_cast %add3A_262 : i32 to index
          %get3A_269 = tpu.vector_load %arg10[%get3A_267, %get3A_268] {strides = array<i32>} : memref<16x1024xf32, #tpu.memory_space<vmem>>, vector<1x16xf32>,
          %get3A_270 = vector.shape_cast %get3A_269 : vector<1x16xf32> to vector<16xf32>
          %add3A_271 = arith.addf %get3A_266, %get3A_270 : vector<16xf32>
          %swap3A_272 = arith.index_cast %add3A_172 : i32 to index
          %swap3A_273 = arith.index_cast %add3A_262 : i32 to index
          %swap3A_274 = tpu.vector_load %arg12[%swap3A_272, %swap3A_273] {strides = array<i32>} : memref<16x1024xf32, #tpu.memory_space<vmem>>, vector<1x16xf32>,
          %swap3A_275 = vector.shape_cast %swap3A_274 : vector<1x16xf32> to vector<16xf32>
          %swap3A_276 = vector.shape_cast %add3A_271 : vector<16xf32> to vector<1x16xf32>
          tpu.vector_store %arg12[%swap3A_272, %swap3A_273], %swap3A_276 {strides = array<i32>} : memref<16x1024xf32, #tpu.memory_space<vmem>>, vector<1x16xf32>,
          %add3A_277 = arith.constant 96 : i32
          %add3A_278 = arith.addi %add3A_182, %add3A_277 : i32
          %get3A_279 = arith.index_cast %add3A_172 : i32 to index
          %get3A_280 = arith.index_cast %add3A_278 : i32 to index
          %get3A_281 = tpu.vector_load %arg8[%get3A_279, %get3A_280] {strides = array<i32>} : memref<16x1024xf32, #tpu.memory_space<vmem>>, vector<1x16xf32>,
          %get3A_282 = vector.shape_cast %get3A_281 : vector<1x16xf32> to vector<16xf32>
          %get3A_283 = arith.index_cast %add3A_172 : i32 to index
          %get3A_284 = arith.index_cast %add3A_278 : i32 to index
          %get3A_285 = tpu.vector_load %arg10[%get3A_283, %get3A_284] {strides = array<i32>} : memref<16x1024xf32, #tpu.memory_space<vmem>>, vector<1x16xf32>,
          %get3A_286 = vector.shape_cast %get3A_285 : vector<1x16xf32> to vector<16xf32>
          %add3A_287 = arith.addf %get3A_282, %get3A_286 : vector<16xf32>
          %swap3A_288 = arith.index_cast %add3A_172 : i32 to index
          %swap3A_289 = arith.index_cast %add3A_278 : i32 to index
          %swap3A_290 = tpu.vector_load %arg12[%swap3A_288, %swap3A_289] {strides = array<i32>} : memref<16x1024xf32, #tpu.memory_space<vmem>>, vector<1x16xf32>,
          %swap3A_291 = vector.shape_cast %swap3A_290 : vector<1x16xf32> to vector<16xf32>
          %swap3A_292 = vector.shape_cast %add3A_287 : vector<16xf32> to vector<1x16xf32>
          tpu.vector_store %arg12[%swap3A_288, %swap3A_289], %swap3A_292 {strides = array<i32>} : memref<16x1024xf32, #tpu.memory_space<vmem>>, vector<1x16xf32>,
          %add3A_293 = arith.constant 112 : i32
          %add3A_294 = arith.addi %add3A_182, %add3A_293 : i32
          %get3A_295 = arith.index_cast %add3A_172 : i32 to index
          %get3A_296 = arith.index_cast %add3A_294 : i32 to index
          %get3A_297 = tpu.vector_load %arg8[%get3A_295, %get3A_296] {strides = array<i32>} : memref<16x1024xf32, #tpu.memory_space<vmem>>, vector<1x16xf32>,
          %get3A_298 = vector.shape_cast %get3A_297 : vector<1x16xf32> to vector<16xf32>
          %get3A_299 = arith.index_cast %add3A_172 : i32 to index
          %get3A_300 = arith.index_cast %add3A_294 : i32 to index
          %get3A_301 = tpu.vector_load %arg10[%get3A_299, %get3A_300] {strides = array<i32>} : memref<16x1024xf32, #tpu.memory_space<vmem>>, vector<1x16xf32>,
          %get3A_302 = vector.shape_cast %get3A_301 : vector<1x16xf32> to vector<16xf32>
          %add3A_303 = arith.addf %get3A_298, %get3A_302 : vector<16xf32>
          %swap3A_304 = arith.index_cast %add3A_172 : i32 to index
          %swap3A_305 = arith.index_cast %add3A_294 : i32 to index
          %swap3A_306 = tpu.vector_load %arg12[%swap3A_304, %swap3A_305] {strides = array<i32>} : memref<16x1024xf32, #tpu.memory_space<vmem>>, vector<1x16xf32>,
          %swap3A_307 = vector.shape_cast %swap3A_306 : vector<1x16xf32> to vector<16xf32>
          %swap3A_308 = vector.shape_cast %add3A_303 : vector<16xf32> to vector<1x16xf32>
          tpu.vector_store %arg12[%swap3A_304, %swap3A_305], %swap3A_308 {strides = array<i32>} : memref<16x1024xf32, #tpu.memory_space<vmem>>, vector<1x16xf32>,
          %add3A_309 = arith.constant 128 : i32
          %add3A_310 = arith.addi %add3A_182, %add3A_309 : i32
          %get3A_311 = arith.index_cast %add3A_172 : i32 to index
          %get3A_312 = arith.index_cast %add3A_310 : i32 to index
          %get3A_313 = tpu.vector_load %arg8[%get3A_311, %get3A_312] {strides = array<i32>} : memref<16x1024xf32, #tpu.memory_space<vmem>>, vector<1x16xf32>,
          %get3A_314 = vector.shape_cast %get3A_313 : vector<1x16xf32> to vector<16xf32>
          %get3A_315 = arith.index_cast %add3A_172 : i32 to index
          %get3A_316 = arith.index_cast %add3A_310 : i32 to index
          %get3A_317 = tpu.vector_load %arg10[%get3A_315, %get3A_316] {strides = array<i32>} : memref<16x1024xf32, #tpu.memory_space<vmem>>, vector<1x16xf32>,
          %get3A_318 = vector.shape_cast %get3A_317 : vector<1x16xf32> to vector<16xf32>
          %add3A_319 = arith.addf %get3A_314, %get3A_318 : vector<16xf32>
          %swap3A_320 = arith.index_cast %add3A_172 : i32 to index
          %swap3A_321 = arith.index_cast %add3A_310 : i32 to index
          %swap3A_322 = tpu.vector_load %arg12[%swap3A_320, %swap3A_321] {strides = array<i32>} : memref<16x1024xf32, #tpu.memory_space<vmem>>, vector<1x16xf32>,
          %swap3A_323 = vector.shape_cast %swap3A_322 : vector<1x16xf32> to vector<16xf32>
          %swap3A_324 = vector.shape_cast %add3A_319 : vector<16xf32> to vector<1x16xf32>
          tpu.vector_store %arg12[%swap3A_320, %swap3A_321], %swap3A_324 {strides = array<i32>} : memref<16x1024xf32, #tpu.memory_space<vmem>>, vector<1x16xf32>,
          %add3A_325 = arith.constant 144 : i32
          %add3A_326 = arith.addi %add3A_182, %add3A_325 : i32
          %get3A_327 = arith.index_cast %add3A_172 : i32 to index
          %get3A_328 = arith.index_cast %add3A_326 : i32 to index
          %get3A_329 = tpu.vector_load %arg8[%get3A_327, %get3A_328] {strides = array<i32>} : memref<16x1024xf32, #tpu.memory_space<vmem>>, vector<1x16xf32>,
          %get3A_330 = vector.shape_cast %get3A_329 : vector<1x16xf32> to vector<16xf32>
          %get3A_331 = arith.index_cast %add3A_172 : i32 to index
          %get3A_332 = arith.index_cast %add3A_326 : i32 to index
          %get3A_333 = tpu.vector_load %arg10[%get3A_331, %get3A_332] {strides = array<i32>} : memref<16x1024xf32, #tpu.memory_space<vmem>>, vector<1x16xf32>,
          %get3A_334 = vector.shape_cast %get3A_333 : vector<1x16xf32> to vector<16xf32>
          %add3A_335 = arith.addf %get3A_330, %get3A_334 : vector<16xf32>
          %swap3A_336 = arith.index_cast %add3A_172 : i32 to index
          %swap3A_337 = arith.index_cast %add3A_326 : i32 to index
          %swap3A_338 = tpu.vector_load %arg12[%swap3A_336, %swap3A_337] {strides = array<i32>} : memref<16x1024xf32, #tpu.memory_space<vmem>>, vector<1x16xf32>,
          %swap3A_339 = vector.shape_cast %swap3A_338 : vector<1x16xf32> to vector<16xf32>
          %swap3A_340 = vector.shape_cast %add3A_335 : vector<16xf32> to vector<1x16xf32>
          tpu.vector_store %arg12[%swap3A_336, %swap3A_337], %swap3A_340 {strides = array<i32>} : memref<16x1024xf32, #tpu.memory_space<vmem>>, vector<1x16xf32>,
          %add3A_341 = arith.constant 160 : i32
          %add3A_342 = arith.addi %add3A_182, %add3A_341 : i32
          %get3A_343 = arith.index_cast %add3A_172 : i32 to index
          %get3A_344 = arith.index_cast %add3A_342 : i32 to index
          %get3A_345 = tpu.vector_load %arg8[%get3A_343, %get3A_344] {strides = array<i32>} : memref<16x1024xf32, #tpu.memory_space<vmem>>, vector<1x16xf32>,
          %get3A_346 = vector.shape_cast %get3A_345 : vector<1x16xf32> to vector<16xf32>
          %get3A_347 = arith.index_cast %add3A_172 : i32 to index
          %get3A_348 = arith.index_cast %add3A_342 : i32 to index
          %get3A_349 = tpu.vector_load %arg10[%get3A_347, %get3A_348] {strides = array<i32>} : memref<16x1024xf32, #tpu.memory_space<vmem>>, vector<1x16xf32>,
          %get3A_350 = vector.shape_cast %get3A_349 : vector<1x16xf32> to vector<16xf32>
          %add3A_351 = arith.addf %get3A_346, %get3A_350 : vector<16xf32>
          %swap3A_352 = arith.index_cast %add3A_172 : i32 to index
          %swap3A_353 = arith.index_cast %add3A_342 : i32 to index
          %swap3A_354 = tpu.vector_load %arg12[%swap3A_352, %swap3A_353] {strides = array<i32>} : memref<16x1024xf32, #tpu.memory_space<vmem>>, vector<1x16xf32>,
          %swap3A_355 = vector.shape_cast %swap3A_354 : vector<1x16xf32> to vector<16xf32>
          %swap3A_356 = vector.shape_cast %add3A_351 : vector<16xf32> to vector<1x16xf32>
          tpu.vector_store %arg12[%swap3A_352, %swap3A_353], %swap3A_356 {strides = array<i32>} : memref<16x1024xf32, #tpu.memory_space<vmem>>, vector<1x16xf32>,
          %add3A_357 = arith.constant 176 : i32
          %add3A_358 = arith.addi %add3A_182, %add3A_357 : i32
          %get3A_359 = arith.index_cast %add3A_172 : i32 to index
          %get3A_360 = arith.index_cast %add3A_358 : i32 to index
          %get3A_361 = tpu.vector_load %arg8[%get3A_359, %get3A_360] {strides = array<i32>} : memref<16x1024xf32, #tpu.memory_space<vmem>>, vector<1x16xf32>,
          %get3A_362 = vector.shape_cast %get3A_361 : vector<1x16xf32> to vector<16xf32>
          %get3A_363 = arith.index_cast %add3A_172 : i32 to index
          %get3A_364 = arith.index_cast %add3A_358 : i32 to index
          %get3A_365 = tpu.vector_load %arg10[%get3A_363, %get3A_364] {strides = array<i32>} : memref<16x1024xf32, #tpu.memory_space<vmem>>, vector<1x16xf32>,
          %get3A_366 = vector.shape_cast %get3A_365 : vector<1x16xf32> to vector<16xf32>
          %add3A_367 = arith.addf %get3A_362, %get3A_366 : vector<16xf32>
          %swap3A_368 = arith.index_cast %add3A_172 : i32 to index
          %swap3A_369 = arith.index_cast %add3A_358 : i32 to index
          %swap3A_370 = tpu.vector_load %arg12[%swap3A_368, %swap3A_369] {strides = array<i32>} : memref<16x1024xf32, #tpu.memory_space<vmem>>, vector<1x16xf32>,
          %swap3A_371 = vector.shape_cast %swap3A_370 : vector<1x16xf32> to vector<16xf32>
          %swap3A_372 = vector.shape_cast %add3A_367 : vector<16xf32> to vector<1x16xf32>
          tpu.vector_store %arg12[%swap3A_368, %swap3A_369], %swap3A_372 {strides = array<i32>} : memref<16x1024xf32, #tpu.memory_space<vmem>>, vector<1x16xf32>,
          %add3A_373 = arith.constant 192 : i32
          %add3A_374 = arith.addi %add3A_182, %add3A_373 : i32
          %get3A_375 = arith.index_cast %add3A_172 : i32 to index
          %get3A_376 = arith.index_cast %add3A_374 : i32 to index
          %get3A_377 = tpu.vector_load %arg8[%get3A_375, %get3A_376] {strides = array<i32>} : memref<16x1024xf32, #tpu.memory_space<vmem>>, vector<1x16xf32>,
          %get3A_378 = vector.shape_cast %get3A_377 : vector<1x16xf32> to vector<16xf32>
          %get3A_379 = arith.index_cast %add3A_172 : i32 to index
          %get3A_380 = arith.index_cast %add3A_374 : i32 to index
          %get3A_381 = tpu.vector_load %arg10[%get3A_379, %get3A_380] {strides = array<i32>} : memref<16x1024xf32, #tpu.memory_space<vmem>>, vector<1x16xf32>,
          %get3A_382 = vector.shape_cast %get3A_381 : vector<1x16xf32> to vector<16xf32>
          %add3A_383 = arith.addf %get3A_378, %get3A_382 : vector<16xf32>
          %swap3A_384 = arith.index_cast %add3A_172 : i32 to index
          %swap3A_385 = arith.index_cast %add3A_374 : i32 to index
          %swap3A_386 = tpu.vector_load %arg12[%swap3A_384, %swap3A_385] {strides = array<i32>} : memref<16x1024xf32, #tpu.memory_space<vmem>>, vector<1x16xf32>,
          %swap3A_387 = vector.shape_cast %swap3A_386 : vector<1x16xf32> to vector<16xf32>
          %swap3A_388 = vector.shape_cast %add3A_383 : vector<16xf32> to vector<1x16xf32>
          tpu.vector_store %arg12[%swap3A_384, %swap3A_385], %swap3A_388 {strides = array<i32>} : memref<16x1024xf32, #tpu.memory_space<vmem>>, vector<1x16xf32>,
          %add3A_389 = arith.constant 208 : i32
          %add3A_390 = arith.addi %add3A_182, %add3A_389 : i32
          %get3A_391 = arith.index_cast %add3A_172 : i32 to index
          %get3A_392 = arith.index_cast %add3A_390 : i32 to index
          %get3A_393 = tpu.vector_load %arg8[%get3A_391, %get3A_392] {strides = array<i32>} : memref<16x1024xf32, #tpu.memory_space<vmem>>, vector<1x16xf32>,
          %get3A_394 = vector.shape_cast %get3A_393 : vector<1x16xf32> to vector<16xf32>
          %get3A_395 = arith.index_cast %add3A_172 : i32 to index
          %get3A_396 = arith.index_cast %add3A_390 : i32 to index
          %get3A_397 = tpu.vector_load %arg10[%get3A_395, %get3A_396] {strides = array<i32>} : memref<16x1024xf32, #tpu.memory_space<vmem>>, vector<1x16xf32>,
          %get3A_398 = vector.shape_cast %get3A_397 : vector<1x16xf32> to vector<16xf32>
          %add3A_399 = arith.addf %get3A_394, %get3A_398 : vector<16xf32>
          %swap3A_400 = arith.index_cast %add3A_172 : i32 to index
          %swap3A_401 = arith.index_cast %add3A_390 : i32 to index
          %swap3A_402 = tpu.vector_load %arg12[%swap3A_400, %swap3A_401] {strides = array<i32>} : memref<16x1024xf32, #tpu.memory_space<vmem>>, vector<1x16xf32>,
          %swap3A_403 = vector.shape_cast %swap3A_402 : vector<1x16xf32> to vector<16xf32>
          %swap3A_404 = vector.shape_cast %add3A_399 : vector<16xf32> to vector<1x16xf32>
          tpu.vector_store %arg12[%swap3A_400, %swap3A_401], %swap3A_404 {strides = array<i32>} : memref<16x1024xf32, #tpu.memory_space<vmem>>, vector<1x16xf32>,
          %add3A_405 = arith.constant 224 : i32
          %add3A_406 = arith.addi %add3A_182, %add3A_405 : i32
          %get3A_407 = arith.index_cast %add3A_172 : i32 to index
          %get3A_408 = arith.index_cast %add3A_406 : i32 to index
          %get3A_409 = tpu.vector_load %arg8[%get3A_407, %get3A_408] {strides = array<i32>} : memref<16x1024xf32, #tpu.memory_space<vmem>>, vector<1x16xf32>,
          %get3A_410 = vector.shape_cast %get3A_409 : vector<1x16xf32> to vector<16xf32>
          %get3A_411 = arith.index_cast %add3A_172 : i32 to index
          %get3A_412 = arith.index_cast %add3A_406 : i32 to index
          %get3A_413 = tpu.vector_load %arg10[%get3A_411, %get3A_412] {strides = array<i32>} : memref<16x1024xf32, #tpu.memory_space<vmem>>, vector<1x16xf32>,
          %get3A_414 = vector.shape_cast %get3A_413 : vector<1x16xf32> to vector<16xf32>
          %add3A_415 = arith.addf %get3A_410, %get3A_414 : vector<16xf32>
          %swap3A_416 = arith.index_cast %add3A_172 : i32 to index
          %swap3A_417 = arith.index_cast %add3A_406 : i32 to index
          %swap3A_418 = tpu.vector_load %arg12[%swap3A_416, %swap3A_417] {strides = array<i32>} : memref<16x1024xf32, #tpu.memory_space<vmem>>, vector<1x16xf32>,
          %swap3A_419 = vector.shape_cast %swap3A_418 : vector<1x16xf32> to vector<16xf32>
          %swap3A_420 = vector.shape_cast %add3A_415 : vector<16xf32> to vector<1x16xf32>
          tpu.vector_store %arg12[%swap3A_416, %swap3A_417], %swap3A_420 {strides = array<i32>} : memref<16x1024xf32, #tpu.memory_space<vmem>>, vector<1x16xf32>,
          %add3A_421 = arith.constant 240 : i32
          %add3A_422 = arith.addi %add3A_182, %add3A_421 : i32
          %get3A_423 = arith.index_cast %add3A_172 : i32 to index
          %get3A_424 = arith.index_cast %add3A_422 : i32 to index
          %get3A_425 = tpu.vector_load %arg8[%get3A_423, %get3A_424] {strides = array<i32>} : memref<16x1024xf32, #tpu.memory_space<vmem>>, vector<1x16xf32>,
          %get3A_426 = vector.shape_cast %get3A_425 : vector<1x16xf32> to vector<16xf32>
          %get3A_427 = arith.index_cast %add3A_172 : i32 to index
          %get3A_428 = arith.index_cast %add3A_422 : i32 to index
          %get3A_429 = tpu.vector_load %arg10[%get3A_427, %get3A_428] {strides = array<i32>} : memref<16x1024xf32, #tpu.memory_space<vmem>>, vector<1x16xf32>,
          %get3A_430 = vector.shape_cast %get3A_429 : vector<1x16xf32> to vector<16xf32>
          %add3A_431 = arith.addf %get3A_426, %get3A_430 : vector<16xf32>
          %swap3A_432 = arith.index_cast %add3A_172 : i32 to index
          %swap3A_433 = arith.index_cast %add3A_422 : i32 to index
          %swap3A_434 = tpu.vector_load %arg12[%swap3A_432, %swap3A_433] {strides = array<i32>} : memref<16x1024xf32, #tpu.memory_space<vmem>>, vector<1x16xf32>,
          %swap3A_435 = vector.shape_cast %swap3A_434 : vector<1x16xf32> to vector<16xf32>
          %swap3A_436 = vector.shape_cast %add3A_431 : vector<16xf32> to vector<1x16xf32>
          tpu.vector_store %arg12[%swap3A_432, %swap3A_433], %swap3A_436 {strides = array<i32>} : memref<16x1024xf32, #tpu.memory_space<vmem>>, vector<1x16xf32>,
        }
        %scan3A_177 = arith.constant 4 : i32
      }
      %scan3A_151 = arith.constant 16 : i32
      %add3A_152 = arith.constant 2 : i32
      %add3A_153 = arith.addi %add3A_126, %add3A_152 : i32
      %lt3A_154 = arith.constant 16 : i32
      %lt3A_155 = arith.cmpi slt, %add3A_153, %lt3A_154 : i32
      %convert_element_type3A_156 = arith.extui %lt3A_155 : i1 to i32
      %cond3A_157 = arith.constant 0 : i32
      %cond3A_158 = arith.cmpi ne, %convert_element_type3A_156, %cond3A_157 : i32
      scf.if %cond3A_158 {
        %add3A_168 = arith.constant 2 : i32
        %add3A_169 = arith.addi %add3A_126, %add3A_168 : i32
        %mul3A_170 = arith.constant 16 : i32
        %mul3A_171 = arith.muli %add3A_169, %mul3A_170 : i32
        %add3A_172 = arith.addi %mul3A_32, %mul3A_171 : i32
        %dma_start3A_173 = arith.constant 0 : i32
        %dma_start3A_174 = tpu.memref_slice %arg2[%add3A_172, %select_n3A, %dma_start3A_173] : memref<2048x4x1024xf32, #tpu.memory_space<hbm>> -> memref<16x1x1024xf32, #tpu.memory_space<hbm>>
        %dma_start3A_175 = tpu.memref_squeeze %dma_start3A_174 : memref<16x1x1024xf32, #tpu.memory_space<hbm>> -> memref<16x1024xf32, #tpu.memory_space<hbm>>
        %dma_start3A_176 = arith.constant 0 : i32
        %dma_start3A_177 = tpu.memref_slice %arg2[%add3A_172, %select_n3A, %dma_start3A_176] : memref<2048x4x1024xf32, #tpu.memory_space<hbm>> -> memref<16x1x1024xf32, #tpu.memory_space<hbm>>
        %dma_start3A_178 = tpu.memref_squeeze %dma_start3A_177 : memref<16x1x1024xf32, #tpu.memory_space<hbm>> -> memref<16x1024xf32, #tpu.memory_space<hbm>>
        tpu.enqueue_dma source(%dma_start3A_178 : memref<16x1024xf32, #tpu.memory_space<hbm>>) target(%arg8 : memref<16x1024xf32, #tpu.memory_space<vmem>>) target_semaphore(%arg14 : memref<!tpu.dma_semaphore, #tpu.memory_space<semaphore_mem>>)
        %mul3A_179 = arith.constant 16 : i32
        %mul3A_180 = arith.muli %add3A_169, %mul3A_179 : i32
        %dma_start3A_181 = tpu.memref_slice %arg6[%mul3A_180] : memref<256xi32, #tpu.memory_space<vmem>> -> memref<16xi32, #tpu.memory_space<vmem>>
        %dma_start3A_182 = arith.constant 0 : i32
        %dma_start3A_183 = arith.constant 0 : i32
        %dma_start3A_184 = tpu.memref_slice %arg4[%dma_start3A_182, %dma_start3A_183] : memref<360x1024xf32, #tpu.memory_space<hbm>> -> memref<360x1024xf32, #tpu.memory_space<hbm>>
        tpu.enqueue_indirect_dma source(%dma_start3A_184 : memref<360x1024xf32, #tpu.memory_space<hbm>>) target(%arg10 : memref<16x1024xf32, #tpu.memory_space<vmem>>) offsets(%dma_start3A_181 : memref<16xi32, #tpu.memory_space<vmem>>) semaphore(%arg16 : memref<!tpu.dma_semaphore, #tpu.memory_space<semaphore_mem>>)
      } else {
      }
      %mul3A_159 = arith.constant 16 : i32
      %mul3A_160 = arith.muli %add3A_126, %mul3A_159 : i32
      %add3A_161 = arith.addi %mul3A_32, %mul3A_160 : i32
      %dma_start3A_162 = arith.constant 0 : i32
      %dma_start3A_163 = tpu.memref_slice %arg5[%add3A_161, %select_n3A, %dma_start3A_162] : memref<2048x4x1024xf32, #tpu.memory_space<hbm>> -> memref<16x1x1024xf32, #tpu.memory_space<hbm>>
      %dma_start3A_164 = tpu.memref_squeeze %dma_start3A_163 : memref<16x1x1024xf32, #tpu.memory_space<hbm>> -> memref<16x1024xf32, #tpu.memory_space<hbm>>
      %dma_start3A_165 = arith.constant 0 : i32
      %dma_start3A_166 = tpu.memref_slice %arg5[%add3A_161, %select_n3A, %dma_start3A_165] : memref<2048x4x1024xf32, #tpu.memory_space<hbm>> -> memref<16x1x1024xf32, #tpu.memory_space<hbm>>
      %dma_start3A_167 = tpu.memref_squeeze %dma_start3A_166 : memref<16x1x1024xf32, #tpu.memory_space<hbm>> -> memref<16x1024xf32, #tpu.memory_space<hbm>>
      tpu.enqueue_dma source(%arg12 : memref<16x1024xf32, #tpu.memory_space<vmem>>) target(%dma_start3A_167 : memref<16x1024xf32, #tpu.memory_space<hbm>>) target_semaphore(%arg18 : memref<!tpu.dma_semaphore, #tpu.memory_space<semaphore_mem>>)
    }
    %scan3A_64 = arith.constant 8 : i32
    %add3A_65 = arith.constant 224 : i32
    %add3A_66 = arith.addi %mul3A_32, %add3A_65 : i32
    %dma_wait3A = arith.constant 0 : i32
    %dma_wait3A_67 = tpu.memref_slice %arg5[%add3A_66, %select_n3A, %dma_wait3A] : memref<2048x4x1024xf32, #tpu.memory_space<hbm>> -> memref<16x1x1024xf32, #tpu.memory_space<hbm>>
    %dma_wait3A_68 = tpu.memref_squeeze %dma_wait3A_67 : memref<16x1x1024xf32, #tpu.memory_space<hbm>> -> memref<16x1024xf32, #tpu.memory_space<hbm>>
    %dma_wait3A_69 = arith.constant 0 : i32
    %dma_wait3A_70 = tpu.memref_slice %arg5[%add3A_66, %select_n3A, %dma_wait3A_69] : memref<2048x4x1024xf32, #tpu.memory_space<hbm>> -> memref<16x1x1024xf32, #tpu.memory_space<hbm>>
    %dma_wait3A_71 = tpu.memref_squeeze %dma_wait3A_70 : memref<16x1x1024xf32, #tpu.memory_space<hbm>> -> memref<16x1024xf32, #tpu.memory_space<hbm>>
    tpu.wait_dma2 semaphore(%arg17 : memref<!tpu.dma_semaphore, #tpu.memory_space<semaphore_mem>>) src(%arg11 : memref<16x1024xf32, #tpu.memory_space<vmem>>) dst(%dma_wait3A_71 : memref<16x1024xf32, #tpu.memory_space<hbm>>)
    %add3A_72 = arith.constant 240 : i32
    %add3A_73 = arith.addi %mul3A_32, %add3A_72 : i32
    %dma_wait3A_74 = arith.constant 0 : i32
    %dma_wait3A_75 = tpu.memref_slice %arg5[%add3A_73, %select_n3A, %dma_wait3A_74] : memref<2048x4x1024xf32, #tpu.memory_space<hbm>> -> memref<16x1x1024xf32, #tpu.memory_space<hbm>>
    %dma_wait3A_76 = tpu.memref_squeeze %dma_wait3A_75 : memref<16x1x1024xf32, #tpu.memory_space<hbm>> -> memref<16x1024xf32, #tpu.memory_space<hbm>>
    %dma_wait3A_77 = arith.constant 0 : i32
    %dma_wait3A_78 = tpu.memref_slice %arg5[%add3A_73, %select_n3A, %dma_wait3A_77] : memref<2048x4x1024xf32, #tpu.memory_space<hbm>> -> memref<16x1x1024xf32, #tpu.memory_space<hbm>>
    %dma_wait3A_79 = tpu.memref_squeeze %dma_wait3A_78 : memref<16x1x1024xf32, #tpu.memory_space<hbm>> -> memref<16x1024xf32, #tpu.memory_space<hbm>>
    tpu.wait_dma2 semaphore(%arg18 : memref<!tpu.dma_semaphore, #tpu.memory_space<semaphore_mem>>) src(%arg12 : memref<16x1024xf32, #tpu.memory_space<vmem>>) dst(%dma_wait3A_79 : memref<16x1024xf32, #tpu.memory_space<hbm>>)
    return
  }
}

</mosaic_0001>

<sc_bundles>
// kernel: kernel.3.cloned.1.call-start
scs
__scs_entry_jumppad:
0x0: {  	(pc) =	sbr.rel $0x88, $3  }
0x1: {  	(tag) =	ssettag $0x0;
	lr =	simm.s32 $0x1  }
0x2: {  	[smem:$0x3F9E] =	sst lr;
	_ =	strace $0xD0000000  }
0x3: {  	_ = 	snop  }
0x4: {  	_ = 	snop  }
0x5: {  	_ = 	snop  }
0x6: {  	_ = 	snop  }
0x7: {  	_ = 	snop  }
__scs_overlays_trampoline_lowered:
0x8: {  	[smem:$0x3FAD] =	sst s0  }
0x9: {  	[smem:$0x3FAE] =	sst s1  }
0xa: {  	[smem:$0x3FAF] =	sst s2  }
0xb: {  	[smem:$0x3FB0] =	sst s3  }
0xc: {  	[smem:$0x3FB1] =	sst s4  }
0xd: {  	[smem:$0x3FB2] =	sst s5  }
0xe: {  	[smem:$0x3FB3] =	sst s6  }
0xf: {  	[smem:$0x3FB4] =	sst s7  }
0x10: {  	[smem:$0x3FB5] =	sst s8  }
0x11: {  	[smem:$0x3FB6] =	sst s9;
	s0 =	simm.s32 @!p0 $0x0  }
0x12: {  	s1 =	sld [smem:$0x3F9C];
	s0 =	simm.s32 @p0 $0x1  }
0x13: {  	[smem:$0x3FB7] =	sst s0;
	s0 =	simm.s32 @!p1 $0x0  }
0x14: {  	s2 =	sld [smem:$0x3F9B];
	s0 =	simm.s32 @p1 $0x1  }
0x15: {  	[smem:$0x3FB8] =	sst s0;
	s0 =	simm.s32 @!p2 $0x0  }
0x16: {  	s3 =	sld [smem:$0x3FDB];
	s0 =	simm.s32 @p2 $0x1  }
0x17: {  	s4 =	simm.s32 $0x1BF5;
	[smem:$0x3FBA] =	sst s0  }
0x18: {  	s0 =	sld [smem:$0x3F9D];
	_ =	swait.ge [sflag:s4], $0x0  }
0x19: {  	s7 =	sld [smem:$0x3F9E]  }
0x1a: {  	s8 =	sadd.s32 $0xFFFFE003, lr  }
0x1b: {  	s9 =	sadd.s32 $0xFFFFFEF7, lr;
	s5 =	simm.s32 $0xFFFFFFFF;
	p2 =	slt.u32 s8, $0xFFFFF086  }
0x1c: {  	p1 =	slt.u32 s9, $0xF7A;
	s5 =	simm.s32 @!p2 $0x0  }
0x1d: {  	s5 =	simm.s32 @p1 $0x1;
	p0 =	seq.s32 s7, s2  }
0x1e: {  	s7 =	smul.u32 @!p0 $0xF7A, s2;
	p2 =	seq.s32 @!p0 s5, $0x0  }
0x1f: {  	s9 =	smul.u32 $0xF7A, s1;
	s8 =	simm.s32 @!p0 $0x1BF5;
	p2 =	por !p2, p0  }
0x20: {  	[sflag:s8] =	ssyncset.s32 @!p0 $0xFFFFF086;
	s6 =	sadd.s32 @!p0 s3, s7;
	s7 =	simm.s32 @!p0 $0x108  }
0x21: {  	s3 =	sadd.s32 s3, s9;
	s6 =	sadd.s32 @!p0 $0x88, s6;
	s7 =	simm.s32 @p2 $0x1082  }
0x22: {  	[simem:s7], [sflag:s8] =	dma.local @!p0 [hbm:s6], $0xF7A  }
0x23: {  	s9 =	sor.u32 $0xD0000000, s2;
	s6 =	simm.s32 $0x108;
	_ =	swait.ge @!p0 [sflag:s8], $0x0  }
0x24: {  	s3 =	sadd.s32 $0x88, s3;
	s6 =	simm.s32 @!p1 $0x1082;
	[sflag:s4] =	ssyncset.s32 $0xFFFFF086  }
0x25: {  	[simem:s6], [sflag:s4] =	dma.local [hbm:s3], $0xF7A  }
0x26: {  	[smem:$0x3F9E] =	sst s1;
	(tag) =	ssettag s2;
	_ =	strace s9  }
0x27: {  	s1 =	sld [smem:$0x3FAE]  }
0x28: {  	s2 =	sld [smem:$0x3FAF]  }
0x29: {  	s4 =	sld [smem:$0x3FB1]  }
0x2a: {  	p0 =	seq.s32 s5, $0x0;
	s5 =	sld [smem:$0x3FB2]  }
0x2b: {  	s6 =	sld [smem:$0x3FB3]  }
0x2c: {  	s7 =	sld [smem:$0x3FB4]  }
0x2d: {  	s3 =	simm.s32 $0x108;
	s8 =	sld [smem:$0x3FB5]  }
0x2e: {  	s3 =	simm.s32 @!p0 $0x1082;
	s9 =	sld [smem:$0x3FB6]  }
0x2f: {  	lr =	sadd.s32 s0, s3;
	s0 =	sld [smem:$0x3FAD]  }
0x30: {  	s3 =	sld [smem:$0x3FB0]  }
0x31: {  	[smem:$0x3FB9] =	sst s10  }
0x32: {  	s10 =	sld [smem:$0x3FB7];
	_ =	sdelay $0x3  }
0x33: {  	p0 =	seq.s32 s10, $0x1;
	s10 =	sld [smem:$0x3FB9];
	_ =	sdelay $0x3  }
0x34: {  	[smem:$0x3FB9] =	sst s10  }
0x35: {  	s10 =	sld [smem:$0x3FB8];
	_ =	sdelay $0x3  }
0x36: {  	p1 =	seq.s32 s10, $0x1;
	s10 =	sld [smem:$0x3FB9];
	_ =	sdelay $0x3  }
0x37: {  	[smem:$0x3FB9] =	sst s10  }
0x38: {  	s10 =	sld [smem:$0x3FBA]  }
0x39: {  	_ = 	snop;
	(pc) =	sbr.ind lr, $3  }
0x3a: {  	_ = 	snop  }
0x3b: {  	_ = 	snop  }
0x3c: {  	p2 =	seq.s32 s10, $0x1;
	s10 =	sld [smem:$0x3FB9]  }
0x3d: {  	_ =	shalt  }
0x3e: {  	_ =	shalt  }
0x3f: {  	_ =	shalt  }
0x40: {  	_ =	shalt  }
0x41: {  	_ =	shalt  }
0x42: {  	_ =	shalt  }
0x43: {  	_ =	shalt  }
0x44: {  	_ =	shalt  }
0x45: {  	_ =	shalt  }
0x46: {  	_ =	shalt  }
0x47: {  	_ =	shalt  }
0x48: {  	_ =	shalt  }
0x49: {  	_ =	shalt  }
0x4a: {  	_ =	shalt  }
0x4b: {  	_ =	shalt  }
0x4c: {  	_ =	shalt  }
0x4d: {  	_ =	shalt  }
0x4e: {  	_ =	shalt  }
0x4f: {  	_ =	shalt  }
0x50: {  	_ =	shalt  }
0x51: {  	_ =	shalt  }
0x52: {  	_ =	shalt  }
0x53: {  	_ =	shalt  }
0x54: {  	_ =	shalt  }
0x55: {  	_ =	shalt  }
0x56: {  	_ =	shalt  }
0x57: {  	_ =	shalt  }
0x58: {  	_ =	shalt  }
0x59: {  	_ =	shalt  }
0x5a: {  	_ =	shalt  }
0x5b: {  	_ =	shalt  }
0x5c: {  	_ =	shalt  }
0x5d: {  	_ =	shalt  }
0x5e: {  	_ =	shalt  }
0x5f: {  	_ =	shalt  }
0x60: {  	_ =	shalt  }
0x61: {  	_ =	shalt  }
0x62: {  	_ =	shalt  }
0x63: {  	_ =	shalt  }
0x64: {  	_ =	shalt  }
0x65: {  	_ =	shalt  }
0x66: {  	_ =	shalt  }
0x67: {  	_ =	shalt  }
0x68: {  	_ =	shalt  }
0x69: {  	_ =	shalt  }
0x6a: {  	_ =	shalt  }
0x6b: {  	_ =	shalt  }
0x6c: {  	_ =	shalt  }
0x6d: {  	_ =	shalt  }
0x6e: {  	_ =	shalt  }
0x6f: {  	_ =	shalt  }
0x70: {  	_ =	shalt  }
0x71: {  	_ =	shalt  }
0x72: {  	_ =	shalt  }
0x73: {  	_ =	shalt  }
0x74: {  	_ =	shalt  }
0x75: {  	_ =	shalt  }
0x76: {  	_ =	shalt  }
0x77: {  	_ =	shalt  }
0x78: {  	_ =	shalt  }
0x79: {  	_ =	shalt  }
0x7a: {  	_ =	shalt  }
0x7b: {  	_ =	shalt  }
0x7c: {  	_ =	shalt  }
0x7d: {  	_ =	shalt  }
0x7e: {  	_ =	shalt  }
0x7f: {  	_ =	shalt  }
0x80: {  	_ =	shalt  }
0x81: {  	_ =	shalt  }
0x82: {  	_ =	shalt  }
0x83: {  	_ =	shalt  }
0x84: {  	_ =	shalt  }
0x85: {  	_ =	shalt  }
0x86: {  	_ =	shalt  }
0x87: {  	_ =	shalt  }
.Lfunc_end0:
.L_simem_size_0:
called_computation_lowered:
.L_overlay_start_0:
0x88: {  	s2 =	sld [smem:$0x3FD9]  }
0x89: {  	s3 =	sld [smem:$0x3FFE];
	_ =	sdelay $0x1  }
0x8a: {  	s1 =	srdreg.scid  }
0x8b: {  	s0 =	sand.u32 $0x1, s1  }
0x8c: {  	s17 =	sshll.u32 s0, $0xA;
	s2 =	sadd.s32 s3, s2  }
0x8d: {  	s2 =	sadd.s32 s2, s17  }
0x8e: {  	[smem:$0x3FC5] =	sst s2  }
0x8f: {  	_ = 	snop  }
0x90: {  	s2 =	sld [smem:$0x3FC9]  }
0x91: {  	s18 =	sld [smem:$0x3FC7]  }
0x92: {  	s4 =	sld [smem:$0x3FD0];
	(tm) =	ssettm $0x1  }
0x93: {  	s5 =	sld [smem:$0x3FFB];
	_ =	sdelay $0x3  }
0x94: {  	_ =	strace s5  }
0x95: {  	s5 =	sld [smem:$0x3FFC];
	_ =	sdelay $0x3  }
0x96: {  	_ =	strace s5  }
0x97: {  	s5 =	sld [smem:$0x3FFD];
	_ =	sdelay $0x3  }
0x98: {  	_ =	strace s5  }
0x99: {  	_ =	strace $0x8FFFFFFF  }
0x9a: {  	s19 =	sld [smem:$0x3FDB];
	_ =	sdelay $0x1  }
0x9b: {  	s6 =	simm.s32 $_scs_section_size  }
0x9c: {  	s7 =	simm.s32 $_size__tile_overlayer_lowered;
	s8 =	simm.s32 $_tile_overlayer_lowered  }
0x9d: {  	s22 =	simm.s32 $0x1BFF;
	s21 =	sshll.u32 s8, $0x1;
	s5 =	sadd.s32 s6, s19  }
0x9e: {  	s9 =	simm.s32 $0x0;
	s20 =	sshll.u32 s7, $0x1;
	s7 =	sadd.s32 s21, s5  }
0x9f: {  	[timem:s9], [sflag:s22] =	dma.local [hbm:s7], s20  }
0xa0: {  	_ =	swait.ge [sflag:s22], s20  }
0xa1: {  	s6 =	ssub.s32 $0x0, s20;
	[sflag:s22] =	ssyncset.done $0x0  }
0xa2: {  	[sflag:s22] =	ssyncadd.s32 s6;
	_ =	sdelay $0x1  }
0xa3: {  	s23 =	simm.s32 $0x1B8B  }
0xa4: {  	_ =	swait.ge [sflag:s23], $0x1  }
0xa5: {  	[sflag:s23] =	ssyncset.done $0x0  }
0xa6: {  	s25 =	simm.s32 $0x1B8E;
	s24 =	sld [smem:$0x3FFE];
	[sflag:s23] =	ssyncadd.s32 $0xFFFFFFFF  }
0xa7: {  	s26 =	simm.s32 $execute0_lowered;
	[smem:$0x3FD2] =	sst s25  }
0xa8: {  	s7 =	sshll.u32 s26, $0x1;
	_ =	strace $0x80000046;
	[dreg:$0x1] =	wrdreg $0xFFFFFFFF  }
0xa9: {  	s28 =	simm.s32 $_size_execute0_lowered;
	s5 =	sadd.s32 s5, s7;
	[dreg:$0x0] =	wrdreg $0x0  }
0xaa: {  	s7 =	sshll.u32 s28, $0x1;
	[dreg:$0x2] =	wrdreg s5  }
0xab: {  	[dreg:$0x3] =	wrdreg s7  }
0xac: {  	[dreg:$0x4] =	wrdreg $0xC0  }
0xad: {  	_ =	task [dreg:s9], $0x5FFFF  }
0xae: {  	[dreg:$0x1] =	wrdreg $0xFFFFFFFF  }
0xaf: {  	[dreg:$0x0] =	wrdreg $0x60  }
0xb0: {  	[dreg:$0x2] =	wrdreg s2  }
0xb1: {  	[dreg:$0x3] =	wrdreg s24  }
0xb2: {  	[dreg:$0x4] =	wrdreg s18  }
0xb3: {  	[dreg:$0x5] =	wrdreg s4  }
0xb4: {  	[dreg:$0x6] =	wrdreg $0x9  }
0xb5: {  	_ =	task.clear_ibuf [dreg:s9], $0x7FFFF;
	_ =	strace $0x90000046  }
0xb6: {  	s29 =	simm.s32 $0x9;
	_ =	strace $0x80000048  }
0xb7: {  	_ =	swait.ge [sflag:s29], $0x1  }
0xb8: {  	[sflag:s29] =	ssyncadd.s32 $0xFFFFFFFF  }
0xb9: {  	_ =	strace $0x90000048  }
0xba: {  	_ =	sfence  }
0xbb: {  	s30 =	sld [smem:$0x0];
	_ =	sdelay $0x2  }
0xbc: {  	s31 =	sshll.u32 s1, $0xD;
	s1 =	sshrl.u32 s1, $0x2  }
0xbd: {  	s3 =	sand.u32 $0x4000, s31;
	s1 =	sadd.s32 s1, s30  }
0xbe: {  	s0 =	sor.u32 s3, s0;
	s1 =	sshll.u32 s1, $0x11  }
0xbf: {  	s0 =	sor.u32 s1, s0  }
0xc0: {  	s0 =	sadd.s32 $0x8F2B, s0  }
0xc1: {  	[sflag:s0] =	ssyncadd.remote.s32 $0x1  }
0xc2: {  	_ =	sfence.sel $0xFFFF  }
0xc3: {  	[dreg:$0x0] =	wrdreg $0xFFFFFFFF;
	(pc) =	sbr.abs _section_cstart, $3  }
0xc4: {  	[dreg:$0x1] =	wrdreg $0xFFFFFFFF  }
0xc5: {  	_ =	task.clear_ibuf [dreg:s9], $0x2FFFF;
	_ =	strace $0x9FFFFFFF  }
0xc6: {  	(tm) =	ssettm $0x7FFFFFFF  }
0xc7: {  	_ =	shalt  }
tec
execute0_lowered:
.L_overlay_start_1:
0x0: {  	(tag) =	ssettag $0x1  }
0x1: {  	s0 =	srdreg.scid;
	s15 =	rddreg [dreg:$0x0]  }
0x2: {  	s1 =	rddreg [dreg:$0x1];
	s4 =	stileid.u32  }
0x3: {  	s3 =	rddreg [dreg:$0x2];
	s5 =	simm.s32 $0x0;
	s7 =	simm.s32 $0x1  }
0x4: {  	s19 =	simm.s32 $0x80;
	s20 =	simm.s32 $0x1000;
	s25 =	simm.s32 $0x3  }
0x5: {  	s23 =	simm.s32 $0x16D00;
	s24 =	simm.s32 $0x17100;
	s28 =	simm.s32 $0x17D00  }
0x6: {  	s0 =	sand.u32 $0x1, s0;
	s8 =	sand.u32 $0x7, s4;
	[smem:$0x7FF] =	sst s5  }
0x7: {  	s12 =	sadd.s32 $0x200, s3;
	s2 =	sshll.u32 s0, $0x4;
	p1 =	sne.s32 s8, $0x0  }
0x8: {  	s6 =	sshll.u32 s8, $0x8;
	s8 =	sshll.u32 s8, $0x14;
	s2 =	sor.u32 s4, s2  }
0x9: {  	s0 =	ssub.s32 $0x2, s0;
	s4 =	rddreg [dreg:$0x3];
	p0 =	seq.s32 s2, $0x0  }
0xa: {  	_ =	strace $0x80000047;
	s26 =	sshrl.u32 s0, $0x1;
	p0 =	por !p1, !p0  }
0xb: {  	s2 =	sshrl.u32 s2, $0x3;
	s0 =	ssub.s32 s0, s26;
	p0 =	por !p0, !p0  }
0xc: {  	s26 =	simm.s32 $0x4;
	s0 =	smax.u32 s0, $0x1;
	s7 =	simm.s32 @!p0 $0x0  }
0xd: {  	[dreg:$0x8] =	wrdreg s0;
	s2 =	ssub.s32 s2, s7;
	s7 =	simm.s32 $0x1  }
0xe: {  	s9 =	sshll.u32 s2, $0xB;
	s10 =	sshll.u32 s2, $0xA;
	s2 =	sshll.u32 s2, $0x7  }
0xf: {  	s10 =	sand.u32 $0xFFFFF000, s10;
	s9 =	sor.u32 s6, s9;
	s2 =	sand.u32 $0x180, s2  }
0x10: {  	s11 =	sadd.s32 s8, s10;
	s9 =	sshrl.u32 s9, $0x3;
	s14 =	sor.u32 s2, s10  }
0x11: {  	s10 =	simm.s32 $0x17500;
	s13 =	sor.u32 s2, s11;
	s1 =	sadd.s32 s9, s1  }
0x12: {  	s16 =	sadd.s32 $0x10000, s14;
	s9 =	simm.s32 $0x0;
	s11 =	sshrl.u32 s13, $0x3  }
.Ltmp0:
0x13: {  	s1 =	sadd.s32 $0x400, s1;
	s30 =	sadd.s32 $0x10000, s13;
	(pc) =	sbr.rel .LBB2_1-.Ltmp0, $4  }
0x14: {  	[dreg:$0x5] =	wrdreg s1;
	s29 =	sadd.s32 s15, s11;
	s1 =	sshrl.u32 s30, $0x3  }
0x15: {  	v2 =	vlaneseq.u32;
	s13 =	sadd.s32 $0x300, s3;
	s1 =	sadd.s32 s15, s1;
	[dreg:$0x6] =	wrdreg s29  }
0x16: {  	vm0 =	vmmov $0xffff;
	v1 =	vshrl.u32 v2, $0x3;
	s11 =	sadd.s32 $0x100, s3;
	s31 =	sadd.s32 $0x40, s29;
	[dreg:$0x7] =	wrdreg s1  }
0x17: {  	v0 =	vand.u32 $0x7, v2;
	v2 =	vor.u32 $0x8, v2;
	v1 =	vmul.u32 $0x8, v1;
	s15 =	simm.s32 $0x2;
	[dreg:$0x9] =	wrdreg s31;
	s1 =	simm.s32 $0x17900  }
.LBB2_15:
0x18: {  	s0 =	simm.s32 $0x5  }
0x19: {  	_ =	swait.ge [sflag:s0], $0x4000  }
0x1a: {  	[sflag:s0] =	ssyncset.done $0x0  }
0x1b: {  	s2 =	simm.s32 $0x6;
	[sflag:s0] =	ssyncadd.s32 $0xFFFFC000  }
0x1c: {  	_ =	swait.ge [sflag:s2], $0x4000  }
0x1d: {  	s9 =	rddreg [dreg:$0xa]  }
0x1e: {  	s31 =	rddreg [dreg:$0x8];
	s9 =	sadd.s32 $0x1, s9  }
0x1f: {  	p0 =	sne.s32 s9, s31  }
.Ltmp1:
0x20: {  	_ = 	snop;
	(pc) =	sbr.rel @!p0 .LBB2_16-.Ltmp1, $3  }
0x21: {  	_ =	sdelay $0x1  }
0x22: {  	[sflag:s2] =	ssyncset.done $0x0  }
0x23: {  	[sflag:s2] =	ssyncadd.s32 $0xFFFFC000  }
.LBB2_1:
0x24: {  	[dreg:$0xa] =	wrdreg s9  }
0x25: {  	s0 =	rddreg [dreg:$0x5];
	s2 =	simm.s32 $0x7  }
0x26: {  	[tilespmem:s5], [sflag:$0x7] =	stream.linear.gather [hbm4b:s0+s5], $0x100, $0x38;
	[tilespmem:$0x18100] =	vst v63  }
0x27: {  	_ =	swait.ge [sflag:s2], $0x100  }
0x28: {  	[sflag:s2] =	ssyncset.done $0x0  }
0x29: {  	s9 =	simm.s32 $0x100;
	[sflag:s2] =	ssyncadd.s32 $0xFFFFFF00;
	s2 =	rddreg [dreg:$0x6]  }
0x2a: {  	[tilespmem:s9], [sflag:$0x1] =	stream.strided.gather [hbm4b:s2+s19], $0x400, s20, s19, $0x38;
	[tilespmem:$0x18100] =	vst v63  }
0x2b: {  	s18 =	simm.s32 $0x500;
	s17 =	rddreg [dreg:$0x9]  }
0x2c: {  	[tilespmem:s18], [sflag:$0x1] =	stream.strided.gather [hbm4b:s17+s19], $0x400, s20, s19, $0x38;
	[tilespmem:$0x18100] =	vst v63  }
0x2d: {  	s22 =	simm.s32 $0x900;
	s21 =	sadd.s32 $0x80, s2  }
0x2e: {  	[tilespmem:s22], [sflag:$0x1] =	stream.strided.gather [hbm4b:s21+s19], $0x400, s20, s19, $0x38;
	[tilespmem:$0x18100] =	vst v63  }
0x2f: {  	s31 =	simm.s32 $0xD00;
	s30 =	sadd.s32 $0xC0, s2  }
0x30: {  	[tilespmem:s31], [sflag:$0x1] =	stream.strided.gather [hbm4b:s30+s19], $0x400, s20, s19, $0x38;
	[tilespmem:$0x18100] =	vst v63  }
0x31: {  	s17 =	sadd.s32 $0x100, s2;
	s18 =	simm.s32 $0x1100  }
0x32: {  	[tilespmem:s18], [sflag:$0x1] =	stream.strided.gather [hbm4b:s17+s19], $0x400, s20, s19, $0x38;
	[tilespmem:$0x18100] =	vst v63  }
0x33: {  	s21 =	sadd.s32 $0x140, s2;
	s22 =	simm.s32 $0x1500  }
0x34: {  	[tilespmem:s22], [sflag:$0x1] =	stream.strided.gather [hbm4b:s21+s19], $0x400, s20, s19, $0x38;
	[tilespmem:$0x18100] =	vst v63  }
0x35: {  	s30 =	sadd.s32 $0x180, s2;
	s31 =	simm.s32 $0x1900  }
0x36: {  	[tilespmem:s31], [sflag:$0x1] =	stream.strided.gather [hbm4b:s30+s19], $0x400, s20, s19, $0x38;
	[tilespmem:$0x18100] =	vst v63  }
0x37: {  	s17 =	sadd.s32 $0x1C0, s2;
	s18 =	simm.s32 $0x1D00  }
0x38: {  	[tilespmem:s18], [sflag:$0x1] =	stream.strided.gather [hbm4b:s17+s19], $0x400, s20, s19, $0x38;
	[tilespmem:$0x18100] =	vst v63  }
0x39: {  	s21 =	sadd.s32 $0x1000, s2;
	s22 =	simm.s32 $0x2100  }
0x3a: {  	[tilespmem:s22], [sflag:$0x1] =	stream.strided.gather [hbm4b:s21+s19], $0x400, s20, s19, $0x38;
	[tilespmem:$0x18100] =	vst v63  }
0x3b: {  	s30 =	sadd.s32 $0x1040, s2;
	s31 =	simm.s32 $0x2500  }
0x3c: {  	[tilespmem:s31], [sflag:$0x1] =	stream.strided.gather [hbm4b:s30+s19], $0x400, s20, s19, $0x38;
	[tilespmem:$0x18100] =	vst v63  }
0x3d: {  	s17 =	sadd.s32 $0x1080, s2;
	s18 =	simm.s32 $0x2900  }
0x3e: {  	[tilespmem:s18], [sflag:$0x1] =	stream.strided.gather [hbm4b:s17+s19], $0x400, s20, s19, $0x38;
	[tilespmem:$0x18100] =	vst v63  }
0x3f: {  	s21 =	sadd.s32 $0x10C0, s2;
	s22 =	simm.s32 $0x2D00  }
0x40: {  	[tilespmem:s22], [sflag:$0x1] =	stream.strided.gather [hbm4b:s21+s19], $0x400, s20, s19, $0x38;
	[tilespmem:$0x18100] =	vst v63  }
0x41: {  	s30 =	sadd.s32 $0x1100, s2;
	s31 =	simm.s32 $0x3100  }
0x42: {  	[tilespmem:s31], [sflag:$0x1] =	stream.strided.gather [hbm4b:s30+s19], $0x400, s20, s19, $0x38;
	[tilespmem:$0x18100] =	vst v63  }
0x43: {  	s17 =	sadd.s32 $0x1140, s2;
	s18 =	simm.s32 $0x3500  }
0x44: {  	[tilespmem:s18], [sflag:$0x1] =	stream.strided.gather [hbm4b:s17+s19], $0x400, s20, s19, $0x38;
	[tilespmem:$0x18100] =	vst v63  }
0x45: {  	s21 =	sadd.s32 $0x1180, s2;
	s22 =	simm.s32 $0x3900  }
0x46: {  	[tilespmem:s22], [sflag:$0x1] =	stream.strided.gather [hbm4b:s21+s19], $0x400, s20, s19, $0x38;
	[tilespmem:$0x18100] =	vst v63  }
0x47: {  	s30 =	sadd.s32 $0x11C0, s2;
	s31 =	simm.s32 $0x3D00  }
0x48: {  	[tilespmem:s31], [sflag:$0x1] =	stream.strided.gather [hbm4b:s30+s19], $0x400, s20, s19, $0x38;
	[tilespmem:$0x18100] =	vst v63  }
0x49: {  	v3 =	vld [tilespmem:$0x0];
	_ =	sdelay $0x4  }
0x4a: {  	v4 =	vshll.u32 v3, $0x3  }
0x4b: {  	v3 =	vand.u32 $0x7, v3;
	v4 =	vand.u32 $0xFFFFFFC0, v4  }
0x4c: {  	v3 =	vor.u32 v3, v4  }
0x4d: {  	v4 =	vperm.xlane v3, v0;
	_ =	sdelay $0x1  }
0x4e: {  	v4 =	vadd.s32 v1, v4;
	_ =	sdelay $0x3  }
0x4f: {  	s9 =	simm.s32 $0x8100  }
0x50: {  	[tilespmem:s9], [sflag:$0x3] =	stream.indirect_vreg.gather [hbm4b:s3+s5], $0x80, v4, vm0, $0xb8;
	[tilespmem:$0x18100] =	vst v63  }
0x51: {  	s17 =	simm.s32 $0x8900;
	v3 =	vperm.xlane v3, v2  }
0x52: {  	[tilespmem:s17], [sflag:$0x3] =	stream.indirect_vreg.gather [hbm4b:s11+s5], $0x80, v4, vm0, $0xb8;
	[tilespmem:$0x18100] =	vst v63  }
0x53: {  	s18 =	simm.s32 $0x9100;
	v3 =	vadd.s32 v1, v3  }
0x54: {  	[tilespmem:s18], [sflag:$0x3] =	stream.indirect_vreg.gather [hbm4b:s12+s5], $0x80, v4, vm0, $0xb8;
	[tilespmem:$0x18100] =	vst v63  }
0x55: {  	s21 =	simm.s32 $0x9900  }
0x56: {  	[tilespmem:s21], [sflag:$0x3] =	stream.indirect_vreg.gather [hbm4b:s13+s5], $0x80, v4, vm0, $0xb8;
	[tilespmem:$0x18100] =	vst v63  }
0x57: {  	s22 =	simm.s32 $0xA100  }
0x58: {  	[tilespmem:s22], [sflag:$0x3] =	stream.indirect_vreg.gather [hbm4b:s3+s5], $0x80, v3, vm0, $0xb8;
	[tilespmem:$0x18100] =	vst v63  }
0x59: {  	s30 =	simm.s32 $0xA900  }
0x5a: {  	[tilespmem:s30], [sflag:$0x3] =	stream.indirect_vreg.gather [hbm4b:s11+s5], $0x80, v3, vm0, $0xb8;
	[tilespmem:$0x18100] =	vst v63  }
0x5b: {  	s31 =	simm.s32 $0xB100  }
0x5c: {  	[tilespmem:s31], [sflag:$0x3] =	stream.indirect_vreg.gather [hbm4b:s12+s5], $0x80, v3, vm0, $0xb8;
	[tilespmem:$0x18100] =	vst v63  }
0x5d: {  	s2 =	simm.s32 $0xB900  }
0x5e: {  	[tilespmem:s2], [sflag:$0x3] =	stream.indirect_vreg.gather [hbm4b:s13+s5], $0x80, v3, vm0, $0xb8;
	[tilespmem:$0x18100] =	vst v63  }
0x5f: {  	s9 =	simm.s32 $0x4100;
	s2 =	rddreg [dreg:$0x7]  }
0x60: {  	[tilespmem:s9], [sflag:$0x2] =	stream.strided.gather [hbm4b:s2+s19], $0x400, s20, s19, $0x38;
	[tilespmem:$0x18100] =	vst v63  }
0x61: {  	s18 =	simm.s32 $0x4500;
	s17 =	sadd.s32 $0x40, s2  }
0x62: {  	[tilespmem:s18], [sflag:$0x2] =	stream.strided.gather [hbm4b:s17+s19], $0x400, s20, s19, $0x38;
	[tilespmem:$0x18100] =	vst v63  }
0x63: {  	s22 =	simm.s32 $0x4900;
	s21 =	sadd.s32 $0x80, s2  }
0x64: {  	[tilespmem:s22], [sflag:$0x2] =	stream.strided.gather [hbm4b:s21+s19], $0x400, s20, s19, $0x38;
	[tilespmem:$0x18100] =	vst v63  }
0x65: {  	s31 =	simm.s32 $0x4D00;
	s30 =	sadd.s32 $0xC0, s2  }
0x66: {  	[tilespmem:s31], [sflag:$0x2] =	stream.strided.gather [hbm4b:s30+s19], $0x400, s20, s19, $0x38;
	[tilespmem:$0x18100] =	vst v63  }
0x67: {  	s17 =	sadd.s32 $0x100, s2;
	s18 =	simm.s32 $0x5100  }
0x68: {  	[tilespmem:s18], [sflag:$0x2] =	stream.strided.gather [hbm4b:s17+s19], $0x400, s20, s19, $0x38;
	[tilespmem:$0x18100] =	vst v63  }
0x69: {  	s21 =	sadd.s32 $0x140, s2;
	s22 =	simm.s32 $0x5500  }
0x6a: {  	[tilespmem:s22], [sflag:$0x2] =	stream.strided.gather [hbm4b:s21+s19], $0x400, s20, s19, $0x38;
	[tilespmem:$0x18100] =	vst v63  }
0x6b: {  	s30 =	sadd.s32 $0x180, s2;
	s31 =	simm.s32 $0x5900  }
0x6c: {  	[tilespmem:s31], [sflag:$0x2] =	stream.strided.gather [hbm4b:s30+s19], $0x400, s20, s19, $0x38;
	[tilespmem:$0x18100] =	vst v63  }
0x6d: {  	s17 =	sadd.s32 $0x1C0, s2;
	s18 =	simm.s32 $0x5D00  }
0x6e: {  	[tilespmem:s18], [sflag:$0x2] =	stream.strided.gather [hbm4b:s17+s19], $0x400, s20, s19, $0x38;
	[tilespmem:$0x18100] =	vst v63  }
0x6f: {  	s21 =	sadd.s32 $0x1000, s2;
	s22 =	simm.s32 $0x6100  }
0x70: {  	[tilespmem:s22], [sflag:$0x2] =	stream.strided.gather [hbm4b:s21+s19], $0x400, s20, s19, $0x38;
	[tilespmem:$0x18100] =	vst v63  }
0x71: {  	s30 =	sadd.s32 $0x1040, s2;
	s31 =	simm.s32 $0x6500  }
0x72: {  	[tilespmem:s31], [sflag:$0x2] =	stream.strided.gather [hbm4b:s30+s19], $0x400, s20, s19, $0x38;
	[tilespmem:$0x18100] =	vst v63  }
0x73: {  	s17 =	sadd.s32 $0x1080, s2;
	s18 =	simm.s32 $0x6900  }
0x74: {  	[tilespmem:s18], [sflag:$0x2] =	stream.strided.gather [hbm4b:s17+s19], $0x400, s20, s19, $0x38;
	[tilespmem:$0x18100] =	vst v63  }
0x75: {  	s21 =	sadd.s32 $0x10C0, s2;
	s22 =	simm.s32 $0x6D00  }
0x76: {  	[tilespmem:s22], [sflag:$0x2] =	stream.strided.gather [hbm4b:s21+s19], $0x400, s20, s19, $0x38;
	[tilespmem:$0x18100] =	vst v63  }
0x77: {  	s30 =	sadd.s32 $0x1100, s2;
	s31 =	simm.s32 $0x7100  }
0x78: {  	[tilespmem:s31], [sflag:$0x2] =	stream.strided.gather [hbm4b:s30+s19], $0x400, s20, s19, $0x38;
	[tilespmem:$0x18100] =	vst v63  }
0x79: {  	s17 =	sadd.s32 $0x1140, s2;
	s18 =	simm.s32 $0x7500  }
0x7a: {  	[tilespmem:s18], [sflag:$0x2] =	stream.strided.gather [hbm4b:s17+s19], $0x400, s20, s19, $0x38;
	[tilespmem:$0x18100] =	vst v63  }
0x7b: {  	s21 =	sadd.s32 $0x1180, s2;
	s22 =	simm.s32 $0x7900  }
0x7c: {  	[tilespmem:s22], [sflag:$0x2] =	stream.strided.gather [hbm4b:s21+s19], $0x400, s20, s19, $0x38;
	[tilespmem:$0x18100] =	vst v63  }
0x7d: {  	s30 =	sadd.s32 $0x11C0, s2;
	s31 =	simm.s32 $0x7D00  }
0x7e: {  	[tilespmem:s31], [sflag:$0x2] =	stream.strided.gather [hbm4b:s30+s19], $0x400, s20, s19, $0x38;
	[tilespmem:$0x18100] =	vst v63  }
0x7f: {  	v3 =	vld [tilespmem:$0x10];
	_ =	sdelay $0x4  }
0x80: {  	v63 =	vshll.u32 v3, $0x3  }
0x81: {  	v3 =	vand.u32 $0x7, v3;
	v4 =	vand.u32 $0xFFFFFFC0, v63  }
0x82: {  	v3 =	vor.u32 v3, v4  }
0x83: {  	v4 =	vperm.xlane v3, v0;
	_ =	sdelay $0x1  }
0x84: {  	v4 =	vadd.s32 v1, v4;
	_ =	sdelay $0x3  }
0x85: {  	s2 =	simm.s32 $0xC100  }
0x86: {  	[tilespmem:s2], [sflag:$0x4] =	stream.indirect_vreg.gather [hbm4b:s3+s5], $0x80, v4, vm0, $0xb8;
	[tilespmem:$0x18100] =	vst v63  }
0x87: {  	s9 =	simm.s32 $0xC900;
	v3 =	vperm.xlane v3, v2  }
0x88: {  	[tilespmem:s9], [sflag:$0x4] =	stream.indirect_vreg.gather [hbm4b:s11+s5], $0x80, v4, vm0, $0xb8;
	[tilespmem:$0x18100] =	vst v63  }
0x89: {  	s17 =	simm.s32 $0xD100;
	v3 =	vadd.s32 v1, v3  }
0x8a: {  	[tilespmem:s17], [sflag:$0x4] =	stream.indirect_vreg.gather [hbm4b:s12+s5], $0x80, v4, vm0, $0xb8;
	[tilespmem:$0x18100] =	vst v63  }
0x8b: {  	s18 =	simm.s32 $0xD900  }
0x8c: {  	[tilespmem:s18], [sflag:$0x4] =	stream.indirect_vreg.gather [hbm4b:s13+s5], $0x80, v4, vm0, $0xb8;
	[tilespmem:$0x18100] =	vst v63  }
0x8d: {  	s21 =	simm.s32 $0xE100  }
0x8e: {  	[tilespmem:s21], [sflag:$0x4] =	stream.indirect_vreg.gather [hbm4b:s3+s5], $0x80, v3, vm0, $0xb8;
	[tilespmem:$0x18100] =	vst v63  }
0x8f: {  	s22 =	simm.s32 $0xE900  }
0x90: {  	[tilespmem:s22], [sflag:$0x4] =	stream.indirect_vreg.gather [hbm4b:s11+s5], $0x80, v3, vm0, $0xb8;
	[tilespmem:$0x18100] =	vst v63  }
.Ltmp2:
0x91: {  	_ = 	snop;
	(pc) =	sbr.rel .LBB2_2-.Ltmp2, $4  }
0x92: {  	s30 =	simm.s32 $0xF100  }
0x93: {  	[tilespmem:s30], [sflag:$0x4] =	stream.indirect_vreg.gather [hbm4b:s12+s5], $0x80, v3, vm0, $0xb8;
	[tilespmem:$0x18100] =	vst v63  }
0x94: {  	s29 =	simm.s32 $0x0;
	s31 =	simm.s32 $0xF900  }
0x95: {  	[tilespmem:s31], [sflag:$0x4] =	stream.indirect_vreg.gather [hbm4b:s13+s5], $0x80, v3, vm0, $0xb8;
	[tilespmem:$0x18100] =	vst v63  }
.LBB2_14:
0x96: {  	s0 =	sshrl.u32 s2, $0x3  }
0x97: {  	s17 =	simm.s32 $0x14100;
	s0 =	sadd.s32 s4, s0  }
0x98: {  	[hbm4b:s0+s19] =	stream.strided.scatter [tilespmem:s17], [sflag:$0x6], $0x400, s20, s19, $0x38;
	[tilespmem:$0x18100] =	vst v63  }
0x99: {  	s9 =	simm.s32 $0x14500;
	s18 =	sadd.s32 $0x40, s0  }
0x9a: {  	[hbm4b:s18+s19] =	stream.strided.scatter [tilespmem:s9], [sflag:$0x6], $0x400, s20, s19, $0x38;
	[tilespmem:$0x18100] =	vst v63  }
0x9b: {  	s22 =	simm.s32 $0x14900;
	s21 =	sadd.s32 $0x80, s0  }
0x9c: {  	[hbm4b:s21+s19] =	stream.strided.scatter [tilespmem:s22], [sflag:$0x6], $0x400, s20, s19, $0x38;
	[tilespmem:$0x18100] =	vst v63  }
0x9d: {  	s31 =	simm.s32 $0x14D00;
	s30 =	sadd.s32 $0xC0, s0  }
0x9e: {  	[hbm4b:s30+s19] =	stream.strided.scatter [tilespmem:s31], [sflag:$0x6], $0x400, s20, s19, $0x38;
	[tilespmem:$0x18100] =	vst v63  }
0x9f: {  	s17 =	sadd.s32 $0x100, s0;
	s18 =	simm.s32 $0x15100  }
0xa0: {  	[hbm4b:s17+s19] =	stream.strided.scatter [tilespmem:s18], [sflag:$0x6], $0x400, s20, s19, $0x38;
	[tilespmem:$0x18100] =	vst v63  }
0xa1: {  	s21 =	sadd.s32 $0x140, s0;
	s22 =	simm.s32 $0x15500  }
0xa2: {  	[hbm4b:s21+s19] =	stream.strided.scatter [tilespmem:s22], [sflag:$0x6], $0x400, s20, s19, $0x38;
	[tilespmem:$0x18100] =	vst v63  }
0xa3: {  	s30 =	sadd.s32 $0x180, s0;
	s31 =	simm.s32 $0x15900  }
0xa4: {  	[hbm4b:s30+s19] =	stream.strided.scatter [tilespmem:s31], [sflag:$0x6], $0x400, s20, s19, $0x38;
	[tilespmem:$0x18100] =	vst v63  }
0xa5: {  	s17 =	sadd.s32 $0x1C0, s0;
	s18 =	simm.s32 $0x15D00  }
0xa6: {  	[hbm4b:s17+s19] =	stream.strided.scatter [tilespmem:s18], [sflag:$0x6], $0x400, s20, s19, $0x38;
	[tilespmem:$0x18100] =	vst v63  }
0xa7: {  	s21 =	sadd.s32 $0x1000, s0;
	s22 =	simm.s32 $0x16100  }
0xa8: {  	[hbm4b:s21+s19] =	stream.strided.scatter [tilespmem:s22], [sflag:$0x6], $0x400, s20, s19, $0x38;
	[tilespmem:$0x18100] =	vst v63  }
0xa9: {  	s30 =	sadd.s32 $0x1040, s0;
	s31 =	simm.s32 $0x16500  }
0xaa: {  	[hbm4b:s30+s19] =	stream.strided.scatter [tilespmem:s31], [sflag:$0x6], $0x400, s20, s19, $0x38;
	[tilespmem:$0x18100] =	vst v63  }
0xab: {  	s17 =	sadd.s32 $0x1080, s0;
	s18 =	simm.s32 $0x16900  }
0xac: {  	[hbm4b:s17+s19] =	stream.strided.scatter [tilespmem:s18], [sflag:$0x6], $0x400, s20, s19, $0x38;
	[tilespmem:$0x18100] =	vst v63  }
0xad: {  	s21 =	sadd.s32 $0x10C0, s0  }
0xae: {  	[hbm4b:s21+s19] =	stream.strided.scatter [tilespmem:s23], [sflag:$0x6], $0x400, s20, s19, $0x38;
	[tilespmem:$0x18100] =	vst v63  }
0xaf: {  	s29 =	sadd.s32 $0x1, s29;
	s22 =	sadd.s32 $0x1100, s0  }
0xb0: {  	[hbm4b:s22+s19] =	stream.strided.scatter [tilespmem:s24], [sflag:$0x6], $0x400, s20, s19, $0x38;
	[tilespmem:$0x18100] =	vst v63  }
0xb1: {  	p0 =	sne.s32 s29, $0x8;
	s30 =	sadd.s32 $0x1140, s0  }
0xb2: {  	[hbm4b:s30+s19] =	stream.strided.scatter [tilespmem:s10], [sflag:$0x6], $0x400, s20, s19, $0x38;
	[tilespmem:$0x18100] =	vst v63  }
.Ltmp3:
0xb3: {  	_ = 	snop;
	(pc) =	sbr.rel @!p0 .LBB2_15-.Ltmp3, $4  }
0xb4: {  	s31 =	sadd.s32 $0x1180, s0  }
0xb5: {  	[hbm4b:s31+s19] =	stream.strided.scatter [tilespmem:s1], [sflag:$0x6], $0x400, s20, s19, $0x38;
	[tilespmem:$0x18100] =	vst v63  }
0xb6: {  	s0 =	sadd.s32 $0x11C0, s0  }
0xb7: {  	[hbm4b:s0+s19] =	stream.strided.scatter [tilespmem:s28], [sflag:$0x6], $0x400, s20, s19, $0x38;
	[tilespmem:$0x18100] =	vst v63  }
.LBB2_2:
0xb8: {  	_ =	swait.ge [sflag:s7], $0x4000  }
0xb9: {  	[sflag:s7] =	ssyncset.done $0x0  }
0xba: {  	[sflag:s7] =	ssyncadd.s32 $0xFFFFC000  }
0xbb: {  	_ =	swait.ge [sflag:s25], $0x4000  }
0xbc: {  	p0 =	seq.s32 s29, $0x0;
	[sflag:s25] =	ssyncset.done $0x0  }
0xbd: {  	s2 =	sshll.u32 s29, $0x11;
	s0 =	simm.s32 @!p0 $0x5;
	[sflag:s25] =	ssyncadd.s32 $0xFFFFC000  }
0xbe: {  	s30 =	sshll.u32 s29, $0x5;
	s9 =	simm.s32 $0x0;
	_ =	swait.ge @!p0 [sflag:s0], $0x4000  }
0xbf: {  	s17 =	simm.s32 $0x0;
	s31 =	sadd.s32 s8, s2;
	[sflag:s0] =	ssyncset.done @!p0 $0x0  }
0xc0: {  	s2 =	sadd.s32 s14, s31;
	[sflag:s0] =	ssyncadd.s32 @!p0 $0xFFFFC000;
	s0 =	simm.s32 $0x0  }
.LBB2_3:
0xc1: {  	s18 =	sshll.u32 s9, $0x2;
	s22 =	sand.u32 $0x7, s0  }
0xc2: {  	s18 =	sand.u32 $0xFFFF8000, s18;
	s22 =	sshll.u32 s22, $0x9  }
0xc3: {  	s18 =	sor.u32 s22, s18  }
0xc4: {  	s18 =	sshrl.u32 s18, $0x2  }
0xc5: {  	s22 =	sadd.s32 $0x570, s18  }
0xc6: {  	s21 =	sadd.s32 $0x8570, s18;
	v3 =	vmov s22  }
0xc7: {  	v4 =	vmov s21;
	_ =	sdelay $0x2  }
0xc8: {  	s22 =	simm.s32 $0x0  }
0xc9: {  	v6 =	vld.idx.msk [tilespmem:v3+s22+$0xFFFFFB90 ss:$0x1], $0xffff  }
0xca: {  	v7 =	vld.idx.msk [tilespmem:v4+s22+$0xFFFFFB90 ss:$0x1], $0xffff  }
0xcb: {  	s18 =	sadd.s32 $0x10570, s18  }
0xcc: {  	v5 =	vmov s18;
	_ =	sdelay $0x2  }
0xcd: {  	v6 =	vadd.f32 v7, v6;
	_ =	sdelay $0x1  }
0xce: {  	[tilespmem:v5+s22+$0xFFFFFB90 ss:$0x1] =	vst.idx.msk $0xffff, v6  }
0xcf: {  	v6 =	vld.idx.msk [tilespmem:v3+s22+$0xFFFFFBA0 ss:$0x1], $0xffff  }
0xd0: {  	v7 =	vld.idx.msk [tilespmem:v4+s22+$0xFFFFFBA0 ss:$0x1], $0xffff;
	_ =	sdelay $0x4  }
0xd1: {  	v6 =	vadd.f32 v7, v6;
	_ =	sdelay $0x1  }
0xd2: {  	[tilespmem:v5+s22+$0xFFFFFBA0 ss:$0x1] =	vst.idx.msk $0xffff, v6  }
0xd3: {  	v6 =	vld.idx.msk [tilespmem:v3+s22+$0xFFFFFBB0 ss:$0x1], $0xffff  }
0xd4: {  	v7 =	vld.idx.msk [tilespmem:v4+s22+$0xFFFFFBB0 ss:$0x1], $0xffff;
	_ =	sdelay $0x4  }
0xd5: {  	v6 =	vadd.f32 v7, v6;
	_ =	sdelay $0x1  }
0xd6: {  	[tilespmem:v5+s22+$0xFFFFFBB0 ss:$0x1] =	vst.idx.msk $0xffff, v6  }
0xd7: {  	v6 =	vld.idx.msk [tilespmem:v3+s22+$0xFFFFFBC0 ss:$0x1], $0xffff  }
0xd8: {  	v7 =	vld.idx.msk [tilespmem:v4+s22+$0xFFFFFBC0 ss:$0x1], $0xffff;
	_ =	sdelay $0x4  }
0xd9: {  	v6 =	vadd.f32 v7, v6;
	_ =	sdelay $0x1  }
0xda: {  	[tilespmem:v5+s22+$0xFFFFFBC0 ss:$0x1] =	vst.idx.msk $0xffff, v6  }
0xdb: {  	v6 =	vld.idx.msk [tilespmem:v3+s22+$0xFFFFFBD0 ss:$0x1], $0xffff  }
0xdc: {  	v7 =	vld.idx.msk [tilespmem:v4+s22+$0xFFFFFBD0 ss:$0x1], $0xffff;
	_ =	sdelay $0x4  }
0xdd: {  	v6 =	vadd.f32 v7, v6;
	_ =	sdelay $0x1  }
0xde: {  	[tilespmem:v5+s22+$0xFFFFFBD0 ss:$0x1] =	vst.idx.msk $0xffff, v6  }
0xdf: {  	v6 =	vld.idx.msk [tilespmem:v3+s22+$0xFFFFFBE0 ss:$0x1], $0xffff  }
0xe0: {  	v7 =	vld.idx.msk [tilespmem:v4+s22+$0xFFFFFBE0 ss:$0x1], $0xffff;
	_ =	sdelay $0x4  }
0xe1: {  	v6 =	vadd.f32 v7, v6;
	_ =	sdelay $0x1  }
0xe2: {  	[tilespmem:v5+s22+$0xFFFFFBE0 ss:$0x1] =	vst.idx.msk $0xffff, v6  }
0xe3: {  	v6 =	vld.idx.msk [tilespmem:v3+s22+$0xFFFFFBF0 ss:$0x1], $0xffff  }
0xe4: {  	v7 =	vld.idx.msk [tilespmem:v4+s22+$0xFFFFFBF0 ss:$0x1], $0xffff;
	_ =	sdelay $0x4  }
0xe5: {  	v6 =	vadd.f32 v7, v6;
	_ =	sdelay $0x1  }
0xe6: {  	[tilespmem:v5+s22+$0xFFFFFBF0 ss:$0x1] =	vst.idx.msk $0xffff, v6  }
0xe7: {  	v6 =	vld.idx.msk [tilespmem:v3+s22+$0xFFFFFC00 ss:$0x1], $0xffff  }
0xe8: {  	v7 =	vld.idx.msk [tilespmem:v4+s22+$0xFFFFFC00 ss:$0x1], $0xffff;
	_ =	sdelay $0x4  }
0xe9: {  	v6 =	vadd.f32 v7, v6;
	_ =	sdelay $0x1  }
0xea: {  	[tilespmem:v5+s22+$0xFFFFFC00 ss:$0x1] =	vst.idx.msk $0xffff, v6  }
0xeb: {  	v6 =	vld.idx.msk [tilespmem:v3+s22+$0xFFFFFF90 ss:$0x1], $0xffff  }
0xec: {  	v7 =	vld.idx.msk [tilespmem:v4+s22+$0xFFFFFF90 ss:$0x1], $0xffff;
	_ =	sdelay $0x4  }
0xed: {  	v6 =	vadd.f32 v7, v6;
	_ =	sdelay $0x1  }
0xee: {  	[tilespmem:v5+s22+$0xFFFFFF90 ss:$0x1] =	vst.idx.msk $0xffff, v6  }
0xef: {  	v6 =	vld.idx.msk [tilespmem:v3+s22+$0xFFFFFFA0 ss:$0x1], $0xffff  }
0xf0: {  	v7 =	vld.idx.msk [tilespmem:v4+s22+$0xFFFFFFA0 ss:$0x1], $0xffff;
	_ =	sdelay $0x4  }
0xf1: {  	v6 =	vadd.f32 v7, v6;
	_ =	sdelay $0x1  }
0xf2: {  	[tilespmem:v5+s22+$0xFFFFFFA0 ss:$0x1] =	vst.idx.msk $0xffff, v6  }
0xf3: {  	v6 =	vld.idx.msk [tilespmem:v3+s22+$0xFFFFFFB0 ss:$0x1], $0xffff  }
0xf4: {  	v7 =	vld.idx.msk [tilespmem:v4+s22+$0xFFFFFFB0 ss:$0x1], $0xffff;
	_ =	sdelay $0x4  }
0xf5: {  	v6 =	vadd.f32 v7, v6;
	_ =	sdelay $0x1  }
0xf6: {  	[tilespmem:v5+s22+$0xFFFFFFB0 ss:$0x1] =	vst.idx.msk $0xffff, v6  }
0xf7: {  	v6 =	vld.idx.msk [tilespmem:v3+s22+$0xFFFFFFC0 ss:$0x1], $0xffff  }
0xf8: {  	v7 =	vld.idx.msk [tilespmem:v4+s22+$0xFFFFFFC0 ss:$0x1], $0xffff;
	_ =	sdelay $0x4  }
0xf9: {  	v6 =	vadd.f32 v7, v6;
	_ =	sdelay $0x1  }
0xfa: {  	[tilespmem:v5+s22+$0xFFFFFFC0 ss:$0x1] =	vst.idx.msk $0xffff, v6  }
0xfb: {  	v6 =	vld.idx.msk [tilespmem:v3+s22+$0xFFFFFFD0 ss:$0x1], $0xffff  }
0xfc: {  	v7 =	vld.idx.msk [tilespmem:v4+s22+$0xFFFFFFD0 ss:$0x1], $0xffff;
	_ =	sdelay $0x4  }
0xfd: {  	v6 =	vadd.f32 v7, v6;
	_ =	sdelay $0x1  }
0xfe: {  	[tilespmem:v5+s22+$0xFFFFFFD0 ss:$0x1] =	vst.idx.msk $0xffff, v6  }
0xff: {  	v6 =	vld.idx.msk [tilespmem:v3+s22+$0xFFFFFFE0 ss:$0x1], $0xffff  }
0x100: {  	v7 =	vld.idx.msk [tilespmem:v4+s22+$0xFFFFFFE0 ss:$0x1], $0xffff;
	_ =	sdelay $0x4  }
0x101: {  	v6 =	vadd.f32 v7, v6;
	_ =	sdelay $0x1  }
0x102: {  	[tilespmem:v5+s22+$0xFFFFFFE0 ss:$0x1] =	vst.idx.msk $0xffff, v6  }
0x103: {  	v6 =	vld.idx.msk [tilespmem:v3+s22+$0xFFFFFFF0 ss:$0x1], $0xffff  }
0x104: {  	s18 =	simm.s32 $0x2000;
	v7 =	vld.idx.msk [tilespmem:v4+s22+$0xFFFFFFF0 ss:$0x1], $0xffff  }
.LBB2_4:
0x105: {  	p1 =	sne.s32 s18, $0x6000;
	s21 =	smov.u32 s18;
	s18 =	sadd.s32 $0x2000, s18  }
0x106: {  	_ =	sdelay $0x2  }
0x107: {  	v6 =	vadd.f32 v7, v6;
	_ =	sdelay $0x1  }
0x108: {  	[tilespmem:v5+s22+$0xFFFFFFF0 ss:$0x1] =	vst.idx.msk $0xffff, v6  }
0x109: {  	v6 =	vld.idx.msk [tilespmem:v3+s22+$0x0 ss:$0x1], $0xffff  }
0x10a: {  	v7 =	vld.idx.msk [tilespmem:v4+s22+$0x0 ss:$0x1], $0xffff;
	_ =	sdelay $0x5  }
0x10b: {  	v6 =	vadd.f32 v7, v6;
	_ =	sdelay $0x1  }
0x10c: {  	[tilespmem:v5+s22+$0x0 ss:$0x1] =	vst.idx.msk $0xffff, v6;
	s22 =	sshra.s32 s21, $0x2  }
0x10d: {  	v6 =	vld.idx.msk [tilespmem:v3+s22+$0xFFFFFB90 ss:$0x1], $0xffff  }
0x10e: {  	v7 =	vld.idx.msk [tilespmem:v4+s22+$0xFFFFFB90 ss:$0x1], $0xffff;
	_ =	sdelay $0x5  }
0x10f: {  	v6 =	vadd.f32 v7, v6;
	_ =	sdelay $0x1  }
0x110: {  	[tilespmem:v5+s22+$0xFFFFFB90 ss:$0x1] =	vst.idx.msk $0xffff, v6  }
0x111: {  	v6 =	vld.idx.msk [tilespmem:v3+s22+$0xFFFFFBA0 ss:$0x1], $0xffff  }
0x112: {  	v7 =	vld.idx.msk [tilespmem:v4+s22+$0xFFFFFBA0 ss:$0x1], $0xffff;
	_ =	sdelay $0x5  }
0x113: {  	v6 =	vadd.f32 v7, v6;
	_ =	sdelay $0x1  }
0x114: {  	[tilespmem:v5+s22+$0xFFFFFBA0 ss:$0x1] =	vst.idx.msk $0xffff, v6  }
0x115: {  	v6 =	vld.idx.msk [tilespmem:v3+s22+$0xFFFFFBB0 ss:$0x1], $0xffff  }
0x116: {  	v7 =	vld.idx.msk [tilespmem:v4+s22+$0xFFFFFBB0 ss:$0x1], $0xffff;
	_ =	sdelay $0x5  }
0x117: {  	v6 =	vadd.f32 v7, v6;
	_ =	sdelay $0x1  }
0x118: {  	[tilespmem:v5+s22+$0xFFFFFBB0 ss:$0x1] =	vst.idx.msk $0xffff, v6  }
0x119: {  	v6 =	vld.idx.msk [tilespmem:v3+s22+$0xFFFFFBC0 ss:$0x1], $0xffff  }
0x11a: {  	v7 =	vld.idx.msk [tilespmem:v4+s22+$0xFFFFFBC0 ss:$0x1], $0xffff;
	_ =	sdelay $0x5  }
0x11b: {  	v6 =	vadd.f32 v7, v6;
	_ =	sdelay $0x1  }
0x11c: {  	[tilespmem:v5+s22+$0xFFFFFBC0 ss:$0x1] =	vst.idx.msk $0xffff, v6  }
0x11d: {  	v6 =	vld.idx.msk [tilespmem:v3+s22+$0xFFFFFBD0 ss:$0x1], $0xffff  }
0x11e: {  	v7 =	vld.idx.msk [tilespmem:v4+s22+$0xFFFFFBD0 ss:$0x1], $0xffff;
	_ =	sdelay $0x5  }
0x11f: {  	v6 =	vadd.f32 v7, v6;
	_ =	sdelay $0x1  }
0x120: {  	[tilespmem:v5+s22+$0xFFFFFBD0 ss:$0x1] =	vst.idx.msk $0xffff, v6  }
0x121: {  	v6 =	vld.idx.msk [tilespmem:v3+s22+$0xFFFFFBE0 ss:$0x1], $0xffff  }
0x122: {  	v7 =	vld.idx.msk [tilespmem:v4+s22+$0xFFFFFBE0 ss:$0x1], $0xffff;
	_ =	sdelay $0x5  }
0x123: {  	v6 =	vadd.f32 v7, v6;
	_ =	sdelay $0x1  }
0x124: {  	[tilespmem:v5+s22+$0xFFFFFBE0 ss:$0x1] =	vst.idx.msk $0xffff, v6  }
0x125: {  	v6 =	vld.idx.msk [tilespmem:v3+s22+$0xFFFFFBF0 ss:$0x1], $0xffff  }
0x126: {  	v7 =	vld.idx.msk [tilespmem:v4+s22+$0xFFFFFBF0 ss:$0x1], $0xffff;
	_ =	sdelay $0x5  }
0x127: {  	v6 =	vadd.f32 v7, v6;
	_ =	sdelay $0x1  }
0x128: {  	[tilespmem:v5+s22+$0xFFFFFBF0 ss:$0x1] =	vst.idx.msk $0xffff, v6  }
0x129: {  	v6 =	vld.idx.msk [tilespmem:v3+s22+$0xFFFFFC00 ss:$0x1], $0xffff  }
0x12a: {  	v7 =	vld.idx.msk [tilespmem:v4+s22+$0xFFFFFC00 ss:$0x1], $0xffff;
	_ =	sdelay $0x5  }
0x12b: {  	v6 =	vadd.f32 v7, v6;
	_ =	sdelay $0x1  }
0x12c: {  	[tilespmem:v5+s22+$0xFFFFFC00 ss:$0x1] =	vst.idx.msk $0xffff, v6  }
0x12d: {  	v6 =	vld.idx.msk [tilespmem:v3+s22+$0xFFFFFF90 ss:$0x1], $0xffff  }
0x12e: {  	v7 =	vld.idx.msk [tilespmem:v4+s22+$0xFFFFFF90 ss:$0x1], $0xffff;
	_ =	sdelay $0x5  }
0x12f: {  	v6 =	vadd.f32 v7, v6;
	_ =	sdelay $0x1  }
0x130: {  	[tilespmem:v5+s22+$0xFFFFFF90 ss:$0x1] =	vst.idx.msk $0xffff, v6  }
0x131: {  	v6 =	vld.idx.msk [tilespmem:v3+s22+$0xFFFFFFA0 ss:$0x1], $0xffff  }
0x132: {  	v7 =	vld.idx.msk [tilespmem:v4+s22+$0xFFFFFFA0 ss:$0x1], $0xffff;
	_ =	sdelay $0x5  }
0x133: {  	v6 =	vadd.f32 v7, v6;
	_ =	sdelay $0x1  }
0x134: {  	[tilespmem:v5+s22+$0xFFFFFFA0 ss:$0x1] =	vst.idx.msk $0xffff, v6  }
0x135: {  	v6 =	vld.idx.msk [tilespmem:v3+s22+$0xFFFFFFB0 ss:$0x1], $0xffff  }
0x136: {  	v7 =	vld.idx.msk [tilespmem:v4+s22+$0xFFFFFFB0 ss:$0x1], $0xffff;
	_ =	sdelay $0x5  }
0x137: {  	v6 =	vadd.f32 v7, v6;
	_ =	sdelay $0x1  }
0x138: {  	[tilespmem:v5+s22+$0xFFFFFFB0 ss:$0x1] =	vst.idx.msk $0xffff, v6  }
0x139: {  	v6 =	vld.idx.msk [tilespmem:v3+s22+$0xFFFFFFC0 ss:$0x1], $0xffff  }
0x13a: {  	v7 =	vld.idx.msk [tilespmem:v4+s22+$0xFFFFFFC0 ss:$0x1], $0xffff;
	_ =	sdelay $0x5  }
0x13b: {  	v6 =	vadd.f32 v7, v6;
	_ =	sdelay $0x1  }
0x13c: {  	[tilespmem:v5+s22+$0xFFFFFFC0 ss:$0x1] =	vst.idx.msk $0xffff, v6  }
0x13d: {  	v6 =	vld.idx.msk [tilespmem:v3+s22+$0xFFFFFFD0 ss:$0x1], $0xffff  }
0x13e: {  	v7 =	vld.idx.msk [tilespmem:v4+s22+$0xFFFFFFD0 ss:$0x1], $0xffff;
	_ =	sdelay $0x5  }
0x13f: {  	v6 =	vadd.f32 v7, v6;
	_ =	sdelay $0x1  }
0x140: {  	[tilespmem:v5+s22+$0xFFFFFFD0 ss:$0x1] =	vst.idx.msk $0xffff, v6  }
0x141: {  	v6 =	vld.idx.msk [tilespmem:v3+s22+$0xFFFFFFE0 ss:$0x1], $0xffff  }
0x142: {  	v7 =	vld.idx.msk [tilespmem:v4+s22+$0xFFFFFFE0 ss:$0x1], $0xffff;
	_ =	sdelay $0x5  }
.Ltmp4:
0x143: {  	v6 =	vadd.f32 v7, v6;
	(pc) =	sbr.rel @p1 .LBB2_4-.Ltmp4, $4  }
0x144: {  	_ = 	snop  }
0x145: {  	[tilespmem:v5+s22+$0xFFFFFFE0 ss:$0x1] =	vst.idx.msk $0xffff, v6  }
0x146: {  	v6 =	vld.idx.msk [tilespmem:v3+s22+$0xFFFFFFF0 ss:$0x1], $0xffff  }
0x147: {  	v7 =	vld.idx.msk [tilespmem:v4+s22+$0xFFFFFFF0 ss:$0x1], $0xffff  }
0x148: {  	_ =	sdelay $0x3  }
0x149: {  	v6 =	vadd.f32 v7, v6;
	_ =	sdelay $0x1  }
0x14a: {  	[tilespmem:v5+s22+$0xFFFFFFF0 ss:$0x1] =	vst.idx.msk $0xffff, v6  }
0x14b: {  	v3 =	vld.idx.msk [tilespmem:v3+s22+$0x0 ss:$0x1], $0xffff  }
0x14c: {  	v4 =	vld.idx.msk [tilespmem:v4+s22+$0x0 ss:$0x1], $0xffff  }
0x14d: {  	s17 =	sadd.s32 $0x1, s17  }
0x14e: {  	p1 =	sne.s32 s17, $0x10  }
.Ltmp5:
0x14f: {  	_ = 	snop;
	(pc) =	sbr.rel @p1 .LBB2_3-.Ltmp5, $3  }
0x150: {  	_ = 	snop  }
0x151: {  	v3 =	vadd.f32 v4, v3;
	_ =	sdelay $0x1  }
0x152: {  	s9 =	sadd.s32 $0x400, s9;
	s0 =	sadd.s32 $0x1, s0;
	[tilespmem:v5+s22+$0x0 ss:$0x1] =	vst.idx.msk $0xffff, v3  }
0x153: {  	p1 =	seq.s32 s29, $0x7  }
.Ltmp6:
0x154: {  	_ = 	snop;
	(pc) =	sbr.rel @p1 .LBB2_8-.Ltmp6, $1  }
0x155: {  	_ =	sdelay $0x3  }
0x156: {  	s0 =	sadd.s32 $0x20, s30  }
0x157: {  	s0 =	sadd.s32 s6, s0  }
0x158: {  	s0 =	sshll.u32 s0, $0xC  }
0x159: {  	s0 =	sadd.s32 s14, s0  }
0x15a: {  	s9 =	rddreg [dreg:$0x0];
	s0 =	sshrl.u32 s0, $0x3  }
0x15b: {  	s17 =	simm.s32 $0x100;
	s0 =	sadd.s32 s9, s0  }
0x15c: {  	[tilespmem:s17], [sflag:$0x1] =	stream.strided.gather [hbm4b:s0+s19], $0x400, s20, s19, $0x38;
	[tilespmem:$0x18100] =	vst v63  }
0x15d: {  	s18 =	sadd.s32 $0x40, s0;
	s17 =	simm.s32 $0x500  }
0x15e: {  	[tilespmem:s17], [sflag:$0x1] =	stream.strided.gather [hbm4b:s18+s19], $0x400, s20, s19, $0x38;
	[tilespmem:$0x18100] =	vst v63  }
0x15f: {  	s22 =	simm.s32 $0x900;
	s21 =	sadd.s32 $0x80, s0  }
0x160: {  	[tilespmem:s22], [sflag:$0x1] =	stream.strided.gather [hbm4b:s21+s19], $0x400, s20, s19, $0x38;
	[tilespmem:$0x18100] =	vst v63  }
0x161: {  	s17 =	sadd.s32 $0xC0, s0;
	s18 =	simm.s32 $0xD00  }
0x162: {  	[tilespmem:s18], [sflag:$0x1] =	stream.strided.gather [hbm4b:s17+s19], $0x400, s20, s19, $0x38;
	[tilespmem:$0x18100] =	vst v63  }
0x163: {  	s21 =	sadd.s32 $0x100, s0;
	s22 =	simm.s32 $0x1100  }
0x164: {  	[tilespmem:s22], [sflag:$0x1] =	stream.strided.gather [hbm4b:s21+s19], $0x400, s20, s19, $0x38;
	[tilespmem:$0x18100] =	vst v63  }
0x165: {  	s17 =	sadd.s32 $0x140, s0;
	s18 =	simm.s32 $0x1500  }
0x166: {  	[tilespmem:s18], [sflag:$0x1] =	stream.strided.gather [hbm4b:s17+s19], $0x400, s20, s19, $0x38;
	[tilespmem:$0x18100] =	vst v63  }
0x167: {  	s21 =	sadd.s32 $0x180, s0;
	s22 =	simm.s32 $0x1900  }
0x168: {  	[tilespmem:s22], [sflag:$0x1] =	stream.strided.gather [hbm4b:s21+s19], $0x400, s20, s19, $0x38;
	[tilespmem:$0x18100] =	vst v63  }
0x169: {  	s17 =	sadd.s32 $0x1C0, s0;
	s18 =	simm.s32 $0x1D00  }
0x16a: {  	[tilespmem:s18], [sflag:$0x1] =	stream.strided.gather [hbm4b:s17+s19], $0x400, s20, s19, $0x38;
	[tilespmem:$0x18100] =	vst v63  }
0x16b: {  	s21 =	sadd.s32 $0x1000, s0;
	s22 =	simm.s32 $0x2100  }
0x16c: {  	[tilespmem:s22], [sflag:$0x1] =	stream.strided.gather [hbm4b:s21+s19], $0x400, s20, s19, $0x38;
	[tilespmem:$0x18100] =	vst v63  }
0x16d: {  	s17 =	sadd.s32 $0x1040, s0;
	s18 =	simm.s32 $0x2500  }
0x16e: {  	[tilespmem:s18], [sflag:$0x1] =	stream.strided.gather [hbm4b:s17+s19], $0x400, s20, s19, $0x38;
	[tilespmem:$0x18100] =	vst v63  }
0x16f: {  	s21 =	sadd.s32 $0x1080, s0;
	s22 =	simm.s32 $0x2900  }
0x170: {  	[tilespmem:s22], [sflag:$0x1] =	stream.strided.gather [hbm4b:s21+s19], $0x400, s20, s19, $0x38;
	[tilespmem:$0x18100] =	vst v63  }
0x171: {  	s17 =	sadd.s32 $0x10C0, s0;
	s18 =	simm.s32 $0x2D00  }
0x172: {  	[tilespmem:s18], [sflag:$0x1] =	stream.strided.gather [hbm4b:s17+s19], $0x400, s20, s19, $0x38;
	[tilespmem:$0x18100] =	vst v63  }
0x173: {  	s21 =	sadd.s32 $0x1100, s0;
	s22 =	simm.s32 $0x3100  }
0x174: {  	[tilespmem:s22], [sflag:$0x1] =	stream.strided.gather [hbm4b:s21+s19], $0x400, s20, s19, $0x38;
	[tilespmem:$0x18100] =	vst v63  }
0x175: {  	s17 =	sadd.s32 $0x1140, s0;
	s18 =	simm.s32 $0x3500  }
0x176: {  	[tilespmem:s18], [sflag:$0x1] =	stream.strided.gather [hbm4b:s17+s19], $0x400, s20, s19, $0x38;
	[tilespmem:$0x18100] =	vst v63  }
0x177: {  	s21 =	sadd.s32 $0x1180, s0;
	s22 =	simm.s32 $0x3900  }
0x178: {  	[tilespmem:s22], [sflag:$0x1] =	stream.strided.gather [hbm4b:s21+s19], $0x400, s20, s19, $0x38;
	[tilespmem:$0x18100] =	vst v63  }
0x179: {  	s0 =	sadd.s32 $0x11C0, s0;
	s17 =	simm.s32 $0x3D00  }
0x17a: {  	[tilespmem:s17], [sflag:$0x1] =	stream.strided.gather [hbm4b:s0+s19], $0x400, s20, s19, $0x38;
	[tilespmem:$0x18100] =	vst v63  }
0x17b: {  	v3 =	vld [tilespmem:s30+$0x20];
	_ =	sdelay $0x4  }
0x17c: {  	v4 =	vshll.u32 v3, $0x3  }
0x17d: {  	v3 =	vand.u32 $0x7, v3;
	v4 =	vand.u32 $0xFFFFFFC0, v4  }
0x17e: {  	v3 =	vor.u32 v3, v4  }
0x17f: {  	v4 =	vperm.xlane v3, v0;
	_ =	sdelay $0x1  }
0x180: {  	v4 =	vadd.s32 v1, v4;
	_ =	sdelay $0x3  }
0x181: {  	s18 =	simm.s32 $0x8100  }
0x182: {  	[tilespmem:s18], [sflag:$0x3] =	stream.indirect_vreg.gather [hbm4b:s3+s5], $0x80, v4, vm0, $0xb8;
	[tilespmem:$0x18100] =	vst v63  }
0x183: {  	s21 =	simm.s32 $0x8900;
	v3 =	vperm.xlane v3, v2  }
0x184: {  	[tilespmem:s21], [sflag:$0x3] =	stream.indirect_vreg.gather [hbm4b:s11+s5], $0x80, v4, vm0, $0xb8;
	[tilespmem:$0x18100] =	vst v63  }
0x185: {  	s22 =	simm.s32 $0x9100;
	v3 =	vadd.s32 v1, v3  }
0x186: {  	[tilespmem:s22], [sflag:$0x3] =	stream.indirect_vreg.gather [hbm4b:s12+s5], $0x80, v4, vm0, $0xb8;
	[tilespmem:$0x18100] =	vst v63  }
0x187: {  	s9 =	simm.s32 $0x9900  }
0x188: {  	[tilespmem:s9], [sflag:$0x3] =	stream.indirect_vreg.gather [hbm4b:s13+s5], $0x80, v4, vm0, $0xb8;
	[tilespmem:$0x18100] =	vst v63  }
0x189: {  	s17 =	simm.s32 $0xA100  }
0x18a: {  	[tilespmem:s17], [sflag:$0x3] =	stream.indirect_vreg.gather [hbm4b:s3+s5], $0x80, v3, vm0, $0xb8;
	[tilespmem:$0x18100] =	vst v63  }
0x18b: {  	s18 =	simm.s32 $0xA900  }
0x18c: {  	[tilespmem:s18], [sflag:$0x3] =	stream.indirect_vreg.gather [hbm4b:s11+s5], $0x80, v3, vm0, $0xb8;
	[tilespmem:$0x18100] =	vst v63  }
0x18d: {  	s21 =	simm.s32 $0xB100  }
0x18e: {  	[tilespmem:s21], [sflag:$0x3] =	stream.indirect_vreg.gather [hbm4b:s12+s5], $0x80, v3, vm0, $0xb8;
	[tilespmem:$0x18100] =	vst v63  }
0x18f: {  	s22 =	simm.s32 $0xB900  }
0x190: {  	[tilespmem:s22], [sflag:$0x3] =	stream.indirect_vreg.gather [hbm4b:s13+s5], $0x80, v3, vm0, $0xb8;
	[tilespmem:$0x18100] =	vst v63  }
.LBB2_8:
0x191: {  	s0 =	sshrl.u32 s2, $0x3  }
0x192: {  	s17 =	simm.s32 $0x10100;
	s0 =	sadd.s32 s4, s0  }
0x193: {  	[hbm4b:s0+s19] =	stream.strided.scatter [tilespmem:s17], [sflag:$0x5], $0x400, s20, s19, $0x38;
	[tilespmem:$0x18100] =	vst v63  }
0x194: {  	s9 =	simm.s32 $0x10500;
	s18 =	sadd.s32 $0x40, s0  }
0x195: {  	[hbm4b:s18+s19] =	stream.strided.scatter [tilespmem:s9], [sflag:$0x5], $0x400, s20, s19, $0x38;
	[tilespmem:$0x18100] =	vst v63  }
0x196: {  	s22 =	simm.s32 $0x10900;
	s21 =	sadd.s32 $0x80, s0  }
0x197: {  	[hbm4b:s21+s19] =	stream.strided.scatter [tilespmem:s22], [sflag:$0x5], $0x400, s20, s19, $0x38;
	[tilespmem:$0x18100] =	vst v63  }
0x198: {  	s17 =	sadd.s32 $0xC0, s0;
	s18 =	simm.s32 $0x10D00  }
0x199: {  	[hbm4b:s17+s19] =	stream.strided.scatter [tilespmem:s18], [sflag:$0x5], $0x400, s20, s19, $0x38;
	[tilespmem:$0x18100] =	vst v63  }
0x19a: {  	s21 =	sadd.s32 $0x100, s0;
	s22 =	simm.s32 $0x11100  }
0x19b: {  	[hbm4b:s21+s19] =	stream.strided.scatter [tilespmem:s22], [sflag:$0x5], $0x400, s20, s19, $0x38;
	[tilespmem:$0x18100] =	vst v63  }
0x19c: {  	s17 =	sadd.s32 $0x140, s0;
	s18 =	simm.s32 $0x11500  }
0x19d: {  	[hbm4b:s17+s19] =	stream.strided.scatter [tilespmem:s18], [sflag:$0x5], $0x400, s20, s19, $0x38;
	[tilespmem:$0x18100] =	vst v63  }
0x19e: {  	s21 =	sadd.s32 $0x180, s0;
	s22 =	simm.s32 $0x11900  }
0x19f: {  	[hbm4b:s21+s19] =	stream.strided.scatter [tilespmem:s22], [sflag:$0x5], $0x400, s20, s19, $0x38;
	[tilespmem:$0x18100] =	vst v63  }
0x1a0: {  	s17 =	sadd.s32 $0x1C0, s0;
	s18 =	simm.s32 $0x11D00  }
0x1a1: {  	[hbm4b:s17+s19] =	stream.strided.scatter [tilespmem:s18], [sflag:$0x5], $0x400, s20, s19, $0x38;
	[tilespmem:$0x18100] =	vst v63  }
0x1a2: {  	s21 =	sadd.s32 $0x1000, s0;
	s22 =	simm.s32 $0x12100  }
0x1a3: {  	[hbm4b:s21+s19] =	stream.strided.scatter [tilespmem:s22], [sflag:$0x5], $0x400, s20, s19, $0x38;
	[tilespmem:$0x18100] =	vst v63  }
0x1a4: {  	s17 =	sadd.s32 $0x1040, s0;
	s18 =	simm.s32 $0x12500  }
0x1a5: {  	[hbm4b:s17+s19] =	stream.strided.scatter [tilespmem:s18], [sflag:$0x5], $0x400, s20, s19, $0x38;
	[tilespmem:$0x18100] =	vst v63  }
0x1a6: {  	s21 =	sadd.s32 $0x1080, s0;
	s22 =	simm.s32 $0x12900  }
0x1a7: {  	[hbm4b:s21+s19] =	stream.strided.scatter [tilespmem:s22], [sflag:$0x5], $0x400, s20, s19, $0x38;
	[tilespmem:$0x18100] =	vst v63  }
0x1a8: {  	s17 =	sadd.s32 $0x10C0, s0;
	s18 =	simm.s32 $0x12D00  }
0x1a9: {  	[hbm4b:s17+s19] =	stream.strided.scatter [tilespmem:s18], [sflag:$0x5], $0x400, s20, s19, $0x38;
	[tilespmem:$0x18100] =	vst v63  }
0x1aa: {  	s21 =	sadd.s32 $0x1100, s0;
	s22 =	simm.s32 $0x13100  }
0x1ab: {  	[hbm4b:s21+s19] =	stream.strided.scatter [tilespmem:s22], [sflag:$0x5], $0x400, s20, s19, $0x38;
	[tilespmem:$0x18100] =	vst v63  }
0x1ac: {  	s9 =	sadd.s32 $0x1140, s0;
	s17 =	simm.s32 $0x13500  }
0x1ad: {  	[hbm4b:s9+s19] =	stream.strided.scatter [tilespmem:s17], [sflag:$0x5], $0x400, s20, s19, $0x38;
	[tilespmem:$0x18100] =	vst v63  }
0x1ae: {  	s18 =	sadd.s32 $0x1180, s0;
	s21 =	simm.s32 $0x13900  }
0x1af: {  	[hbm4b:s18+s19] =	stream.strided.scatter [tilespmem:s21], [sflag:$0x5], $0x400, s20, s19, $0x38;
	[tilespmem:$0x18100] =	vst v63  }
0x1b0: {  	s0 =	sadd.s32 $0x11C0, s0;
	s22 =	simm.s32 $0x13D00  }
0x1b1: {  	[hbm4b:s0+s19] =	stream.strided.scatter [tilespmem:s22], [sflag:$0x5], $0x400, s20, s19, $0x38;
	[tilespmem:$0x18100] =	vst v63  }
0x1b2: {  	_ =	swait.ge [sflag:s15], $0x4000  }
0x1b3: {  	[sflag:s15] =	ssyncset.done $0x0  }
0x1b4: {  	[sflag:s15] =	ssyncadd.s32 $0xFFFFC000  }
0x1b5: {  	_ =	swait.ge [sflag:s26], $0x4000  }
0x1b6: {  	[sflag:s26] =	ssyncset.done $0x0  }
0x1b7: {  	s0 =	simm.s32 @!p0 $0x6;
	[sflag:s26] =	ssyncadd.s32 $0xFFFFC000  }
0x1b8: {  	_ =	swait.ge @!p0 [sflag:s0], $0x4000  }
0x1b9: {  	s2 =	sadd.s32 s31, s16;
	s9 =	simm.s32 $0x0;
	[sflag:s0] =	ssyncset.done @!p0 $0x0  }
0x1ba: {  	s17 =	simm.s32 $0x0;
	[sflag:s0] =	ssyncadd.s32 @!p0 $0xFFFFC000;
	s0 =	simm.s32 $0x0  }
.LBB2_9:
0x1bb: {  	s18 =	sshll.u32 s9, $0x2;
	s21 =	sand.u32 $0x7, s0  }
0x1bc: {  	s18 =	sand.u32 $0xFFFF8000, s18;
	s21 =	sshll.u32 s21, $0x9  }
0x1bd: {  	s18 =	sor.u32 s21, s18  }
0x1be: {  	s18 =	sshrl.u32 s18, $0x2  }
0x1bf: {  	s31 =	sadd.s32 $0x4570, s18  }
0x1c0: {  	s22 =	sadd.s32 $0xC570, s18;
	v3 =	vmov s31  }
0x1c1: {  	v4 =	vmov s22;
	_ =	sdelay $0x2  }
0x1c2: {  	s22 =	simm.s32 $0x0  }
0x1c3: {  	v6 =	vld.idx.msk [tilespmem:v3+s22+$0xFFFFFB90 ss:$0x1], $0xffff  }
0x1c4: {  	v7 =	vld.idx.msk [tilespmem:v4+s22+$0xFFFFFB90 ss:$0x1], $0xffff  }
0x1c5: {  	s18 =	sadd.s32 $0x14570, s18  }
0x1c6: {  	v5 =	vmov s18;
	_ =	sdelay $0x2  }
0x1c7: {  	v6 =	vadd.f32 v7, v6;
	_ =	sdelay $0x1  }
0x1c8: {  	[tilespmem:v5+s22+$0xFFFFFB90 ss:$0x1] =	vst.idx.msk $0xffff, v6  }
0x1c9: {  	v6 =	vld.idx.msk [tilespmem:v3+s22+$0xFFFFFBA0 ss:$0x1], $0xffff  }
0x1ca: {  	v7 =	vld.idx.msk [tilespmem:v4+s22+$0xFFFFFBA0 ss:$0x1], $0xffff;
	_ =	sdelay $0x4  }
0x1cb: {  	v6 =	vadd.f32 v7, v6;
	_ =	sdelay $0x1  }
0x1cc: {  	[tilespmem:v5+s22+$0xFFFFFBA0 ss:$0x1] =	vst.idx.msk $0xffff, v6  }
0x1cd: {  	v6 =	vld.idx.msk [tilespmem:v3+s22+$0xFFFFFBB0 ss:$0x1], $0xffff  }
0x1ce: {  	v7 =	vld.idx.msk [tilespmem:v4+s22+$0xFFFFFBB0 ss:$0x1], $0xffff;
	_ =	sdelay $0x4  }
0x1cf: {  	v6 =	vadd.f32 v7, v6;
	_ =	sdelay $0x1  }
0x1d0: {  	[tilespmem:v5+s22+$0xFFFFFBB0 ss:$0x1] =	vst.idx.msk $0xffff, v6  }
0x1d1: {  	v6 =	vld.idx.msk [tilespmem:v3+s22+$0xFFFFFBC0 ss:$0x1], $0xffff  }
0x1d2: {  	v7 =	vld.idx.msk [tilespmem:v4+s22+$0xFFFFFBC0 ss:$0x1], $0xffff;
	_ =	sdelay $0x4  }
0x1d3: {  	v6 =	vadd.f32 v7, v6;
	_ =	sdelay $0x1  }
0x1d4: {  	[tilespmem:v5+s22+$0xFFFFFBC0 ss:$0x1] =	vst.idx.msk $0xffff, v6  }
0x1d5: {  	v6 =	vld.idx.msk [tilespmem:v3+s22+$0xFFFFFBD0 ss:$0x1], $0xffff  }
0x1d6: {  	v7 =	vld.idx.msk [tilespmem:v4+s22+$0xFFFFFBD0 ss:$0x1], $0xffff;
	_ =	sdelay $0x4  }
0x1d7: {  	v6 =	vadd.f32 v7, v6;
	_ =	sdelay $0x1  }
0x1d8: {  	[tilespmem:v5+s22+$0xFFFFFBD0 ss:$0x1] =	vst.idx.msk $0xffff, v6  }
0x1d9: {  	v6 =	vld.idx.msk [tilespmem:v3+s22+$0xFFFFFBE0 ss:$0x1], $0xffff  }
0x1da: {  	v7 =	vld.idx.msk [tilespmem:v4+s22+$0xFFFFFBE0 ss:$0x1], $0xffff;
	_ =	sdelay $0x4  }
0x1db: {  	v6 =	vadd.f32 v7, v6;
	_ =	sdelay $0x1  }
0x1dc: {  	[tilespmem:v5+s22+$0xFFFFFBE0 ss:$0x1] =	vst.idx.msk $0xffff, v6  }
0x1dd: {  	v6 =	vld.idx.msk [tilespmem:v3+s22+$0xFFFFFBF0 ss:$0x1], $0xffff  }
0x1de: {  	v7 =	vld.idx.msk [tilespmem:v4+s22+$0xFFFFFBF0 ss:$0x1], $0xffff;
	_ =	sdelay $0x4  }
0x1df: {  	v6 =	vadd.f32 v7, v6;
	_ =	sdelay $0x1  }
0x1e0: {  	[tilespmem:v5+s22+$0xFFFFFBF0 ss:$0x1] =	vst.idx.msk $0xffff, v6  }
0x1e1: {  	v6 =	vld.idx.msk [tilespmem:v3+s22+$0xFFFFFC00 ss:$0x1], $0xffff  }
0x1e2: {  	v7 =	vld.idx.msk [tilespmem:v4+s22+$0xFFFFFC00 ss:$0x1], $0xffff;
	_ =	sdelay $0x4  }
0x1e3: {  	v6 =	vadd.f32 v7, v6;
	_ =	sdelay $0x1  }
0x1e4: {  	[tilespmem:v5+s22+$0xFFFFFC00 ss:$0x1] =	vst.idx.msk $0xffff, v6  }
0x1e5: {  	v6 =	vld.idx.msk [tilespmem:v3+s22+$0xFFFFFF90 ss:$0x1], $0xffff  }
0x1e6: {  	v7 =	vld.idx.msk [tilespmem:v4+s22+$0xFFFFFF90 ss:$0x1], $0xffff;
	_ =	sdelay $0x4  }
0x1e7: {  	v6 =	vadd.f32 v7, v6;
	_ =	sdelay $0x1  }
0x1e8: {  	[tilespmem:v5+s22+$0xFFFFFF90 ss:$0x1] =	vst.idx.msk $0xffff, v6  }
0x1e9: {  	v6 =	vld.idx.msk [tilespmem:v3+s22+$0xFFFFFFA0 ss:$0x1], $0xffff  }
0x1ea: {  	v7 =	vld.idx.msk [tilespmem:v4+s22+$0xFFFFFFA0 ss:$0x1], $0xffff;
	_ =	sdelay $0x4  }
0x1eb: {  	v6 =	vadd.f32 v7, v6;
	_ =	sdelay $0x1  }
0x1ec: {  	[tilespmem:v5+s22+$0xFFFFFFA0 ss:$0x1] =	vst.idx.msk $0xffff, v6  }
0x1ed: {  	v6 =	vld.idx.msk [tilespmem:v3+s22+$0xFFFFFFB0 ss:$0x1], $0xffff  }
0x1ee: {  	v7 =	vld.idx.msk [tilespmem:v4+s22+$0xFFFFFFB0 ss:$0x1], $0xffff;
	_ =	sdelay $0x4  }
0x1ef: {  	v6 =	vadd.f32 v7, v6;
	_ =	sdelay $0x1  }
0x1f0: {  	[tilespmem:v5+s22+$0xFFFFFFB0 ss:$0x1] =	vst.idx.msk $0xffff, v6  }
0x1f1: {  	v6 =	vld.idx.msk [tilespmem:v3+s22+$0xFFFFFFC0 ss:$0x1], $0xffff  }
0x1f2: {  	v7 =	vld.idx.msk [tilespmem:v4+s22+$0xFFFFFFC0 ss:$0x1], $0xffff;
	_ =	sdelay $0x4  }
0x1f3: {  	v6 =	vadd.f32 v7, v6;
	_ =	sdelay $0x1  }
0x1f4: {  	[tilespmem:v5+s22+$0xFFFFFFC0 ss:$0x1] =	vst.idx.msk $0xffff, v6  }
0x1f5: {  	v6 =	vld.idx.msk [tilespmem:v3+s22+$0xFFFFFFD0 ss:$0x1], $0xffff  }
0x1f6: {  	v7 =	vld.idx.msk [tilespmem:v4+s22+$0xFFFFFFD0 ss:$0x1], $0xffff;
	_ =	sdelay $0x4  }
0x1f7: {  	v6 =	vadd.f32 v7, v6;
	_ =	sdelay $0x1  }
0x1f8: {  	[tilespmem:v5+s22+$0xFFFFFFD0 ss:$0x1] =	vst.idx.msk $0xffff, v6  }
0x1f9: {  	v6 =	vld.idx.msk [tilespmem:v3+s22+$0xFFFFFFE0 ss:$0x1], $0xffff  }
0x1fa: {  	v7 =	vld.idx.msk [tilespmem:v4+s22+$0xFFFFFFE0 ss:$0x1], $0xffff;
	_ =	sdelay $0x4  }
0x1fb: {  	v6 =	vadd.f32 v7, v6;
	_ =	sdelay $0x1  }
0x1fc: {  	[tilespmem:v5+s22+$0xFFFFFFE0 ss:$0x1] =	vst.idx.msk $0xffff, v6  }
0x1fd: {  	v6 =	vld.idx.msk [tilespmem:v3+s22+$0xFFFFFFF0 ss:$0x1], $0xffff  }
0x1fe: {  	s18 =	simm.s32 $0x2000;
	v7 =	vld.idx.msk [tilespmem:v4+s22+$0xFFFFFFF0 ss:$0x1], $0xffff  }
.LBB2_10:
0x1ff: {  	p0 =	sne.s32 s18, $0x6000;
	s21 =	smov.u32 s18;
	s18 =	sadd.s32 $0x2000, s18  }
0x200: {  	_ =	sdelay $0x2  }
0x201: {  	v6 =	vadd.f32 v7, v6;
	_ =	sdelay $0x1  }
0x202: {  	[tilespmem:v5+s22+$0xFFFFFFF0 ss:$0x1] =	vst.idx.msk $0xffff, v6  }
0x203: {  	v6 =	vld.idx.msk [tilespmem:v3+s22+$0x0 ss:$0x1], $0xffff  }
0x204: {  	v7 =	vld.idx.msk [tilespmem:v4+s22+$0x0 ss:$0x1], $0xffff;
	_ =	sdelay $0x5  }
0x205: {  	v6 =	vadd.f32 v7, v6;
	_ =	sdelay $0x1  }
0x206: {  	[tilespmem:v5+s22+$0x0 ss:$0x1] =	vst.idx.msk $0xffff, v6;
	s22 =	sshra.s32 s21, $0x2  }
0x207: {  	v6 =	vld.idx.msk [tilespmem:v3+s22+$0xFFFFFB90 ss:$0x1], $0xffff  }
0x208: {  	v7 =	vld.idx.msk [tilespmem:v4+s22+$0xFFFFFB90 ss:$0x1], $0xffff;
	_ =	sdelay $0x5  }
0x209: {  	v6 =	vadd.f32 v7, v6;
	_ =	sdelay $0x1  }
0x20a: {  	[tilespmem:v5+s22+$0xFFFFFB90 ss:$0x1] =	vst.idx.msk $0xffff, v6  }
0x20b: {  	v6 =	vld.idx.msk [tilespmem:v3+s22+$0xFFFFFBA0 ss:$0x1], $0xffff  }
0x20c: {  	v7 =	vld.idx.msk [tilespmem:v4+s22+$0xFFFFFBA0 ss:$0x1], $0xffff;
	_ =	sdelay $0x5  }
0x20d: {  	v6 =	vadd.f32 v7, v6;
	_ =	sdelay $0x1  }
0x20e: {  	[tilespmem:v5+s22+$0xFFFFFBA0 ss:$0x1] =	vst.idx.msk $0xffff, v6  }
0x20f: {  	v6 =	vld.idx.msk [tilespmem:v3+s22+$0xFFFFFBB0 ss:$0x1], $0xffff  }
0x210: {  	v7 =	vld.idx.msk [tilespmem:v4+s22+$0xFFFFFBB0 ss:$0x1], $0xffff;
	_ =	sdelay $0x5  }
0x211: {  	v6 =	vadd.f32 v7, v6;
	_ =	sdelay $0x1  }
0x212: {  	[tilespmem:v5+s22+$0xFFFFFBB0 ss:$0x1] =	vst.idx.msk $0xffff, v6  }
0x213: {  	v6 =	vld.idx.msk [tilespmem:v3+s22+$0xFFFFFBC0 ss:$0x1], $0xffff  }
0x214: {  	v7 =	vld.idx.msk [tilespmem:v4+s22+$0xFFFFFBC0 ss:$0x1], $0xffff;
	_ =	sdelay $0x5  }
0x215: {  	v6 =	vadd.f32 v7, v6;
	_ =	sdelay $0x1  }
0x216: {  	[tilespmem:v5+s22+$0xFFFFFBC0 ss:$0x1] =	vst.idx.msk $0xffff, v6  }
0x217: {  	v6 =	vld.idx.msk [tilespmem:v3+s22+$0xFFFFFBD0 ss:$0x1], $0xffff  }
0x218: {  	v7 =	vld.idx.msk [tilespmem:v4+s22+$0xFFFFFBD0 ss:$0x1], $0xffff;
	_ =	sdelay $0x5  }
0x219: {  	v6 =	vadd.f32 v7, v6;
	_ =	sdelay $0x1  }
0x21a: {  	[tilespmem:v5+s22+$0xFFFFFBD0 ss:$0x1] =	vst.idx.msk $0xffff, v6  }
0x21b: {  	v6 =	vld.idx.msk [tilespmem:v3+s22+$0xFFFFFBE0 ss:$0x1], $0xffff  }
0x21c: {  	v7 =	vld.idx.msk [tilespmem:v4+s22+$0xFFFFFBE0 ss:$0x1], $0xffff;
	_ =	sdelay $0x5  }
0x21d: {  	v6 =	vadd.f32 v7, v6;
	_ =	sdelay $0x1  }
0x21e: {  	[tilespmem:v5+s22+$0xFFFFFBE0 ss:$0x1] =	vst.idx.msk $0xffff, v6  }
0x21f: {  	v6 =	vld.idx.msk [tilespmem:v3+s22+$0xFFFFFBF0 ss:$0x1], $0xffff  }
0x220: {  	v7 =	vld.idx.msk [tilespmem:v4+s22+$0xFFFFFBF0 ss:$0x1], $0xffff;
	_ =	sdelay $0x5  }
0x221: {  	v6 =	vadd.f32 v7, v6;
	_ =	sdelay $0x1  }
0x222: {  	[tilespmem:v5+s22+$0xFFFFFBF0 ss:$0x1] =	vst.idx.msk $0xffff, v6  }
0x223: {  	v6 =	vld.idx.msk [tilespmem:v3+s22+$0xFFFFFC00 ss:$0x1], $0xffff  }
0x224: {  	v7 =	vld.idx.msk [tilespmem:v4+s22+$0xFFFFFC00 ss:$0x1], $0xffff;
	_ =	sdelay $0x5  }
0x225: {  	v6 =	vadd.f32 v7, v6;
	_ =	sdelay $0x1  }
0x226: {  	[tilespmem:v5+s22+$0xFFFFFC00 ss:$0x1] =	vst.idx.msk $0xffff, v6  }
0x227: {  	v6 =	vld.idx.msk [tilespmem:v3+s22+$0xFFFFFF90 ss:$0x1], $0xffff  }
0x228: {  	v7 =	vld.idx.msk [tilespmem:v4+s22+$0xFFFFFF90 ss:$0x1], $0xffff;
	_ =	sdelay $0x5  }
0x229: {  	v6 =	vadd.f32 v7, v6;
	_ =	sdelay $0x1  }
0x22a: {  	[tilespmem:v5+s22+$0xFFFFFF90 ss:$0x1] =	vst.idx.msk $0xffff, v6  }
0x22b: {  	v6 =	vld.idx.msk [tilespmem:v3+s22+$0xFFFFFFA0 ss:$0x1], $0xffff  }
0x22c: {  	v7 =	vld.idx.msk [tilespmem:v4+s22+$0xFFFFFFA0 ss:$0x1], $0xffff;
	_ =	sdelay $0x5  }
0x22d: {  	v6 =	vadd.f32 v7, v6;
	_ =	sdelay $0x1  }
0x22e: {  	[tilespmem:v5+s22+$0xFFFFFFA0 ss:$0x1] =	vst.idx.msk $0xffff, v6  }
0x22f: {  	v6 =	vld.idx.msk [tilespmem:v3+s22+$0xFFFFFFB0 ss:$0x1], $0xffff  }
0x230: {  	v7 =	vld.idx.msk [tilespmem:v4+s22+$0xFFFFFFB0 ss:$0x1], $0xffff;
	_ =	sdelay $0x5  }
0x231: {  	v6 =	vadd.f32 v7, v6;
	_ =	sdelay $0x1  }
0x232: {  	[tilespmem:v5+s22+$0xFFFFFFB0 ss:$0x1] =	vst.idx.msk $0xffff, v6  }
0x233: {  	v6 =	vld.idx.msk [tilespmem:v3+s22+$0xFFFFFFC0 ss:$0x1], $0xffff  }
0x234: {  	v7 =	vld.idx.msk [tilespmem:v4+s22+$0xFFFFFFC0 ss:$0x1], $0xffff;
	_ =	sdelay $0x5  }
0x235: {  	v6 =	vadd.f32 v7, v6;
	_ =	sdelay $0x1  }
0x236: {  	[tilespmem:v5+s22+$0xFFFFFFC0 ss:$0x1] =	vst.idx.msk $0xffff, v6  }
0x237: {  	v6 =	vld.idx.msk [tilespmem:v3+s22+$0xFFFFFFD0 ss:$0x1], $0xffff  }
0x238: {  	v7 =	vld.idx.msk [tilespmem:v4+s22+$0xFFFFFFD0 ss:$0x1], $0xffff;
	_ =	sdelay $0x5  }
0x239: {  	v6 =	vadd.f32 v7, v6;
	_ =	sdelay $0x1  }
0x23a: {  	[tilespmem:v5+s22+$0xFFFFFFD0 ss:$0x1] =	vst.idx.msk $0xffff, v6  }
0x23b: {  	v6 =	vld.idx.msk [tilespmem:v3+s22+$0xFFFFFFE0 ss:$0x1], $0xffff  }
0x23c: {  	v7 =	vld.idx.msk [tilespmem:v4+s22+$0xFFFFFFE0 ss:$0x1], $0xffff;
	_ =	sdelay $0x5  }
.Ltmp7:
0x23d: {  	v6 =	vadd.f32 v7, v6;
	(pc) =	sbr.rel @p0 .LBB2_10-.Ltmp7, $4  }
0x23e: {  	_ = 	snop  }
0x23f: {  	[tilespmem:v5+s22+$0xFFFFFFE0 ss:$0x1] =	vst.idx.msk $0xffff, v6  }
0x240: {  	v6 =	vld.idx.msk [tilespmem:v3+s22+$0xFFFFFFF0 ss:$0x1], $0xffff  }
0x241: {  	v7 =	vld.idx.msk [tilespmem:v4+s22+$0xFFFFFFF0 ss:$0x1], $0xffff  }
0x242: {  	_ =	sdelay $0x3  }
0x243: {  	v6 =	vadd.f32 v7, v6;
	_ =	sdelay $0x1  }
0x244: {  	[tilespmem:v5+s22+$0xFFFFFFF0 ss:$0x1] =	vst.idx.msk $0xffff, v6  }
0x245: {  	v3 =	vld.idx.msk [tilespmem:v3+s22+$0x0 ss:$0x1], $0xffff  }
0x246: {  	v4 =	vld.idx.msk [tilespmem:v4+s22+$0x0 ss:$0x1], $0xffff  }
0x247: {  	s17 =	sadd.s32 $0x1, s17  }
0x248: {  	p0 =	sne.s32 s17, $0x10  }
.Ltmp8:
0x249: {  	_ = 	snop;
	(pc) =	sbr.rel @p0 .LBB2_9-.Ltmp8, $3  }
0x24a: {  	_ = 	snop  }
0x24b: {  	v3 =	vadd.f32 v4, v3;
	_ =	sdelay $0x1  }
0x24c: {  	s9 =	sadd.s32 $0x400, s9;
	s0 =	sadd.s32 $0x1, s0;
	[tilespmem:v5+s22+$0x0 ss:$0x1] =	vst.idx.msk $0xffff, v3  }
.Ltmp9:
0x24d: {  	(pc) =	sbr.rel @p1 .LBB2_14-.Ltmp9, $1  }
0x24e: {  	_ =	sdelay $0x3  }
0x24f: {  	s0 =	sadd.s32 $0x30, s30  }
0x250: {  	s0 =	sadd.s32 s6, s0  }
0x251: {  	s0 =	sshll.u32 s0, $0xC  }
0x252: {  	s0 =	sadd.s32 s14, s0  }
0x253: {  	s9 =	rddreg [dreg:$0x0];
	s0 =	sshrl.u32 s0, $0x3  }
0x254: {  	s22 =	simm.s32 $0x4100;
	s0 =	sadd.s32 s9, s0  }
0x255: {  	[tilespmem:s22], [sflag:$0x2] =	stream.strided.gather [hbm4b:s0+s19], $0x400, s20, s19, $0x38;
	[tilespmem:$0x18100] =	vst v63  }
0x256: {  	s17 =	simm.s32 $0x4500;
	s31 =	sadd.s32 $0x40, s0  }
0x257: {  	[tilespmem:s17], [sflag:$0x2] =	stream.strided.gather [hbm4b:s31+s19], $0x400, s20, s19, $0x38;
	[tilespmem:$0x18100] =	vst v63  }
0x258: {  	s21 =	simm.s32 $0x4900;
	s18 =	sadd.s32 $0x80, s0  }
0x259: {  	[tilespmem:s21], [sflag:$0x2] =	stream.strided.gather [hbm4b:s18+s19], $0x400, s20, s19, $0x38;
	[tilespmem:$0x18100] =	vst v63  }
0x25a: {  	s22 =	sadd.s32 $0xC0, s0;
	s31 =	simm.s32 $0x4D00  }
0x25b: {  	[tilespmem:s31], [sflag:$0x2] =	stream.strided.gather [hbm4b:s22+s19], $0x400, s20, s19, $0x38;
	[tilespmem:$0x18100] =	vst v63  }
0x25c: {  	s18 =	sadd.s32 $0x100, s0;
	s21 =	simm.s32 $0x5100  }
0x25d: {  	[tilespmem:s21], [sflag:$0x2] =	stream.strided.gather [hbm4b:s18+s19], $0x400, s20, s19, $0x38;
	[tilespmem:$0x18100] =	vst v63  }
0x25e: {  	s22 =	sadd.s32 $0x140, s0;
	s31 =	simm.s32 $0x5500  }
0x25f: {  	[tilespmem:s31], [sflag:$0x2] =	stream.strided.gather [hbm4b:s22+s19], $0x400, s20, s19, $0x38;
	[tilespmem:$0x18100] =	vst v63  }
0x260: {  	s18 =	sadd.s32 $0x180, s0;
	s21 =	simm.s32 $0x5900  }
0x261: {  	[tilespmem:s21], [sflag:$0x2] =	stream.strided.gather [hbm4b:s18+s19], $0x400, s20, s19, $0x38;
	[tilespmem:$0x18100] =	vst v63  }
0x262: {  	s22 =	sadd.s32 $0x1C0, s0;
	s31 =	simm.s32 $0x5D00  }
0x263: {  	[tilespmem:s31], [sflag:$0x2] =	stream.strided.gather [hbm4b:s22+s19], $0x400, s20, s19, $0x38;
	[tilespmem:$0x18100] =	vst v63  }
0x264: {  	s18 =	sadd.s32 $0x1000, s0;
	s21 =	simm.s32 $0x6100  }
0x265: {  	[tilespmem:s21], [sflag:$0x2] =	stream.strided.gather [hbm4b:s18+s19], $0x400, s20, s19, $0x38;
	[tilespmem:$0x18100] =	vst v63  }
0x266: {  	s22 =	sadd.s32 $0x1040, s0;
	s31 =	simm.s32 $0x6500  }
0x267: {  	[tilespmem:s31], [sflag:$0x2] =	stream.strided.gather [hbm4b:s22+s19], $0x400, s20, s19, $0x38;
	[tilespmem:$0x18100] =	vst v63  }
0x268: {  	s18 =	sadd.s32 $0x1080, s0;
	s21 =	simm.s32 $0x6900  }
0x269: {  	[tilespmem:s21], [sflag:$0x2] =	stream.strided.gather [hbm4b:s18+s19], $0x400, s20, s19, $0x38;
	[tilespmem:$0x18100] =	vst v63  }
0x26a: {  	s22 =	sadd.s32 $0x10C0, s0;
	s31 =	simm.s32 $0x6D00  }
0x26b: {  	[tilespmem:s31], [sflag:$0x2] =	stream.strided.gather [hbm4b:s22+s19], $0x400, s20, s19, $0x38;
	[tilespmem:$0x18100] =	vst v63  }
0x26c: {  	s18 =	sadd.s32 $0x1100, s0;
	s21 =	simm.s32 $0x7100  }
0x26d: {  	[tilespmem:s21], [sflag:$0x2] =	stream.strided.gather [hbm4b:s18+s19], $0x400, s20, s19, $0x38;
	[tilespmem:$0x18100] =	vst v63  }
0x26e: {  	s22 =	sadd.s32 $0x1140, s0;
	s31 =	simm.s32 $0x7500  }
0x26f: {  	[tilespmem:s31], [sflag:$0x2] =	stream.strided.gather [hbm4b:s22+s19], $0x400, s20, s19, $0x38;
	[tilespmem:$0x18100] =	vst v63  }
0x270: {  	s18 =	sadd.s32 $0x1180, s0;
	s21 =	simm.s32 $0x7900  }
0x271: {  	[tilespmem:s21], [sflag:$0x2] =	stream.strided.gather [hbm4b:s18+s19], $0x400, s20, s19, $0x38;
	[tilespmem:$0x18100] =	vst v63  }
0x272: {  	s0 =	sadd.s32 $0x11C0, s0;
	s22 =	simm.s32 $0x7D00  }
0x273: {  	[tilespmem:s22], [sflag:$0x2] =	stream.strided.gather [hbm4b:s0+s19], $0x400, s20, s19, $0x38;
	[tilespmem:$0x18100] =	vst v63  }
0x274: {  	v3 =	vld [tilespmem:s30+$0x30];
	_ =	sdelay $0x4  }
0x275: {  	v4 =	vshll.u32 v3, $0x3  }
0x276: {  	v3 =	vand.u32 $0x7, v3;
	v4 =	vand.u32 $0xFFFFFFC0, v4  }
0x277: {  	v3 =	vor.u32 v3, v4  }
0x278: {  	v4 =	vperm.xlane v3, v0;
	_ =	sdelay $0x1  }
0x279: {  	v4 =	vadd.s32 v1, v4;
	_ =	sdelay $0x3  }
0x27a: {  	s31 =	simm.s32 $0xC100  }
0x27b: {  	[tilespmem:s31], [sflag:$0x4] =	stream.indirect_vreg.gather [hbm4b:s3+s5], $0x80, v4, vm0, $0xb8;
	[tilespmem:$0x18100] =	vst v63  }
0x27c: {  	s9 =	simm.s32 $0xC900;
	v3 =	vperm.xlane v3, v2  }
0x27d: {  	[tilespmem:s9], [sflag:$0x4] =	stream.indirect_vreg.gather [hbm4b:s11+s5], $0x80, v4, vm0, $0xb8;
	[tilespmem:$0x18100] =	vst v63  }
0x27e: {  	s17 =	simm.s32 $0xD100;
	v3 =	vadd.s32 v1, v3  }
0x27f: {  	[tilespmem:s17], [sflag:$0x4] =	stream.indirect_vreg.gather [hbm4b:s12+s5], $0x80, v4, vm0, $0xb8;
	[tilespmem:$0x18100] =	vst v63  }
0x280: {  	s18 =	simm.s32 $0xD900  }
0x281: {  	[tilespmem:s18], [sflag:$0x4] =	stream.indirect_vreg.gather [hbm4b:s13+s5], $0x80, v4, vm0, $0xb8;
	[tilespmem:$0x18100] =	vst v63  }
0x282: {  	s21 =	simm.s32 $0xE100  }
0x283: {  	[tilespmem:s21], [sflag:$0x4] =	stream.indirect_vreg.gather [hbm4b:s3+s5], $0x80, v3, vm0, $0xb8;
	[tilespmem:$0x18100] =	vst v63  }
0x284: {  	s22 =	simm.s32 $0xE900  }
0x285: {  	[tilespmem:s22], [sflag:$0x4] =	stream.indirect_vreg.gather [hbm4b:s11+s5], $0x80, v3, vm0, $0xb8;
	[tilespmem:$0x18100] =	vst v63  }
.Ltmp10:
0x286: {  	_ = 	snop;
	(pc) =	sbr.rel .LBB2_14-.Ltmp10, $4  }
0x287: {  	s30 =	simm.s32 $0xF100  }
0x288: {  	[tilespmem:s30], [sflag:$0x4] =	stream.indirect_vreg.gather [hbm4b:s12+s5], $0x80, v3, vm0, $0xb8;
	[tilespmem:$0x18100] =	vst v63  }
0x289: {  	s31 =	simm.s32 $0xF900  }
0x28a: {  	[tilespmem:s31], [sflag:$0x4] =	stream.indirect_vreg.gather [hbm4b:s13+s5], $0x80, v3, vm0, $0xb8;
	[tilespmem:$0x18100] =	vst v63  }
.LBB2_16:
0x28b: {  	_ =	sfence.sel $0x180000  }
0x28c: {  	[bflag:$0x0] =	sbarrier.arrive $0xFFFF  }
0x28d: {  	_ =	strace $0x90000047  }
0x28e: {  	s0 =	stileid.u32;
	[bflag:$0x2] =	sbarrier.arrive $0xFFFF  }
0x28f: {  	p0 =	sne.s32 s0, $0x0;
	s0 =	rddreg [dreg:$0x4]  }
0x290: {  	s0 =	sadd.s32 @!p0 $0x100000, s0  }
0x291: {  	[sflag:s0] =	ssyncadd.tile.s32 @!p0 $0x1;
	_ =	shalt  }
.Lfunc_end2:
_tile_overlayer_lowered:
.L_overlay_start_2:
0x292: {  	(tag) =	ssettag $0x2  }
0x293: {  	s0 =	rddreg [dreg:$0x0];
	s2 =	stileid.u32  }
0x294: {  	s1 =	rddreg [dreg:$0x1];
	p0 =	sne.s32 s2, $0x0  }
0x295: {  	s3 =	rddreg [dreg:$0x2];
	[bflag:$0x3] =	sbarrier.arrive $0xFFFF;
	s2 =	simm.s32 @!p0 $0x1C07  }
0x296: {  	[timem:s3], [sflag:s2] =	dma.local @!p0 [hbm:s0], s1  }
0x297: {  	s0 =	simm.s32 @!p0 $0x7  }
0x298: {  	_ =	swait.ge @!p0 [sflag:s0], s1  }
0x299: {  	s1 =	ssub.s32 @!p0 $0x0, s1;
	[sflag:s0] =	ssyncset.done @!p0 $0x0  }
0x29a: {  	[sflag:s0] =	ssyncadd.s32 @!p0 s1  }
0x29b: {  	[bflag:$0x3] =	sbarrier.arrive $0xFFFF  }
0x29c: {  	_ =	shalt  }

</sc_bundles>
